<compile_context>
chip_gen: v7x
topology: tpu7x:2x2x1
jax: 0.10.2.dev20260603
libtpu: 0.0.44.dev20260713+nightly
codegen_flags: <defaults>
</compile_context>

<pallas_src>
import functools

import jax
import jax.numpy as jnp
from jax import lax
from jax.experimental import pallas as pl
from jax.experimental.pallas import tpu as pltpu
from jax.experimental.pallas import tpu_sc as plsc

NC = 2
NS = 16
NW = NC * NS


def _sc_aggregate(x_pad, src3, dst3, zrows_in,
                  n_pad, d, k, nchunk):
    half = n_pad // NC
    acc_rows = half + 8
    nz = half // NS
    nw_rows = half // NS
    mesh = plsc.VectorSubcoreMesh(core_axis_name="c", subcore_axis_name="s")

    @functools.partial(
        pl.kernel,
        mesh=mesh,
        compiler_params=pltpu.CompilerParams(needs_layout_passes=False),
        out_type=[
            jax.ShapeDtypeStruct((n_pad, d), jnp.float32),
            jax.ShapeDtypeStruct((NC, NS, half), jnp.float32),
        ],
        scratch_types=[
            pltpu.VMEM((nchunk, k), jnp.int32),
            pltpu.VMEM((nchunk, k), jnp.int32),
            pltpu.VMEM((k, d), jnp.float32),
            pltpu.VMEM((8, d), jnp.float32),
            pltpu.VMEM((half + 16,), jnp.float32),
            pltpu.VMEM_SHARED((acc_rows, d), jnp.float32),
            pltpu.SemaphoreType.DMA,
        ],
    )
    def body(x_hbm, src_hbm, dst_hbm, zr_hbm,
             sum_hbm, cnt_hbm,
             src_v, dst_v, rows_v, zrow_v, hist_v,
             acc_sh, sem):
        c = lax.axis_index("c")
        s = lax.axis_index("s")

        pltpu.sync_copy(zr_hbm, zrow_v)

        zv = jnp.zeros((16,), jnp.float32)

        def zero_hist(i, carry):
            hist_v[pl.ds(i * 16, 16)] = zv
            return carry

        lax.fori_loop(0, (half + 16) // 16, zero_hist, 0)

        z0 = s * nz

        def zero_body(i, carry):
            pltpu.sync_copy(zrow_v, acc_sh.at[pl.ds(z0 + i * 8, 8)])
            return carry

        lax.fori_loop(0, nz // 8, zero_body, 0)

        @pl.when(s == NS - 1)
        def _():
            pltpu.sync_copy(zrow_v, acc_sh.at[pl.ds(half, 8)])

        pltpu.sync_copy(src_hbm.at[s], src_v)
        pltpu.sync_copy(dst_hbm.at[s], dst_v)

        lo = c * half
        hi = lo + half
        dump = jnp.full((16,), half, jnp.int32)

        def xform_body(r, carry):
            for q in range(k // 16):
                v = dst_v[r, pl.ds(q * 16, 16)]
                ok = (v >= lo) & (v < hi)
                dst_v[r, pl.ds(q * 16, 16)] = jnp.where(ok, v - lo, dump)
            return carry

        lax.fori_loop(0, nchunk, xform_body, 0)

        plsc.subcore_barrier()

        ones16 = jnp.ones((16,), jnp.float32)

        def edge_body(j, carry):
            pltpu.async_copy(x_hbm.at[src_v.at[j]], rows_v, sem).wait()
            pltpu.sync_copy(rows_v, acc_sh.at[dst_v.at[j]], add=True)
            for q in range(k // 16):
                idx = dst_v[j, pl.ds(q * 16, 16)]
                occ, last = plsc.scan_count(idx)
                old = plsc.load_gather(hist_v, [idx])
                plsc.store_scatter(hist_v, [idx],
                                   old + occ.astype(jnp.float32), mask=last)
            return carry

        lax.fori_loop(0, nchunk, edge_body, 0)

        plsc.subcore_barrier()

        w0 = s * nw_rows
        pltpu.sync_copy(acc_sh.at[pl.ds(w0, nw_rows)],
                        sum_hbm.at[pl.ds(c * half + w0, nw_rows)])
        pltpu.sync_copy(hist_v.at[pl.ds(0, half)], cnt_hbm.at[c, s])

    return body(x_pad, src3, dst3, zrows_in)


def _tc_combine(ssum, cnt, x_pad, W_l, b_l2, W_r, n_pad, d, h):
    blk = n_pad // 8
    half = n_pad // NC
    bph = half // blk

    def body(p_ref, c_ref, x_ref, wl_ref, bl_ref, wr_ref, o_ref):
        cnt = jnp.sum(c_ref[0], axis=0)
        inv = 1.0 / jnp.clip(cnt, 1.0, None)
        mean = p_ref[...] * inv[:, None]
        o_ref[...] = (
            jnp.dot(mean, wl_ref[...], preferred_element_type=jnp.float32)
            + bl_ref[...]
            + jnp.dot(x_ref[...], wr_ref[...], preferred_element_type=jnp.float32)
        )

    return pl.pallas_call(
        body,
        grid=(n_pad // blk,),
        in_specs=[
            pl.BlockSpec((blk, d), lambda i: (i, 0)),
            pl.BlockSpec((1, NS, blk), lambda i: (i // bph, 0, i % bph)),
            pl.BlockSpec((blk, d), lambda i: (i, 0)),
            pl.BlockSpec((d, h), lambda i: (0, 0)),
            pl.BlockSpec((1, h), lambda i: (0, 0)),
            pl.BlockSpec((d, h), lambda i: (0, 0)),
        ],
        out_specs=pl.BlockSpec((blk, h), lambda i: (i, 0)),
        out_shape=jax.ShapeDtypeStruct((n_pad, h), jnp.float32),
    )(ssum, cnt, x_pad, W_l, b_l2, W_r)


def kernel(x, edge_index, W_l, b_l, W_r):
    n, d = x.shape
    h = W_l.shape[1]
    e = edge_index.shape[1]

    n_pad = ((n + 255) // 256) * 256
    per_tile = e // NS
    k = 80
    assert e % NS == 0 and per_tile % k == 0
    nchunk = per_tile // k

    src3 = edge_index[0].astype(jnp.int32).reshape(NS, nchunk, k)
    dst3 = edge_index[1].astype(jnp.int32).reshape(NS, nchunk, k)
    x_pad = jnp.pad(x, ((0, n_pad - n), (0, 0)))

    zrows_in = jnp.zeros((8, d), jnp.float32)

    ssum, cnt = _sc_aggregate(x_pad, src3, dst3, zrows_in,
                              n_pad, d, k, nchunk)
    out = _tc_combine(ssum, cnt, x_pad, W_l, b_l.reshape(1, h), W_r,
                      n_pad, d, h)
    return out[:n]

# --- scband reference (transcript-rebuilt; emitter-appended) ---
"""Pipeline reference for scband-reg-encoder-26680336843515 (READ-ONLY COPY).

The authoritative reference and input builder live on the scoring server;
editing this copy changes nothing except your own understanding.
"""

import jax, jax.numpy as jnp
import numpy as np

N_NODES = 10000
N_EDGES = 320000
D_FEAT = 128
HIDDEN = 128


def setup_inputs(seed: int = 0) -> dict:
    key = jax.random.key(seed)
    k1, k2, k3, k4, k5 = jax.random.split(key, 5)
    x = jax.random.normal(k1, (N_NODES, D_FEAT), dtype=jnp.float32)
    edge_index = jax.random.randint(k2, (2, N_EDGES), 0, N_NODES, dtype=jnp.int64)
    # SAGEConv params: lin_l (neighbor aggregation, with bias), lin_r (root, no bias)
    scale = 1.0 / np.sqrt(D_FEAT)
    W_l = jax.random.uniform(k3, (D_FEAT, HIDDEN), dtype=jnp.float32, minval=-scale, maxval=scale)
    b_l = jnp.zeros((HIDDEN,), dtype=jnp.float32)
    W_r = jax.random.uniform(k4, (D_FEAT, HIDDEN), dtype=jnp.float32, minval=-scale, maxval=scale)
    return {"x": x, "edge_index": edge_index, "W_l": W_l, "b_l": b_l, "W_r": W_r}


def reference(x, edge_index, W_l, b_l, W_r):
    # PyG SAGEConv with mean aggregation:
    #   out = lin_l(mean_{j in N(i)} x_j) + lin_r(x_i)
    src = edge_index[0]
    dst = edge_index[1]
    msgs = jnp.take(x, src, axis=0)  # gather source node features
    summed = jax.ops.segment_sum(msgs, dst, num_segments=x.shape[0])
    counts = jax.ops.segment_sum(jnp.ones((src.shape[0],), dtype=x.dtype), dst, num_segments=x.shape[0])
    mean_aggr = summed / jnp.clip(counts, 1.0, None)[:, None]
    out = mean_aggr @ W_l + b_l + x @ W_r
    return out

if __name__ == "__main__":
    import jax
    _d = setup_inputs()
    print(jax.jit(kernel)(*tuple(_d.values())))

</pallas_src>

<mosaic_0001>
#map = affine_map<(d0, d1) -> (0, 0)>
#map1 = affine_map<(d0, d1) -> (0, 0, 0)>
module attributes {stable_mosaic.version = 14 : i64} {
  func.func @body(%arg0: i32, %arg1: i32, %arg2: memref<10240x128xf32, #tpu.memory_space<hbm>>, %arg3: memref<16x250x80xi32, #tpu.memory_space<hbm>>, %arg4: memref<16x250x80xi32, #tpu.memory_space<hbm>>, %arg5: memref<8x128xf32, #tpu.memory_space<hbm>>, %arg6: memref<10240x128xf32, #tpu.memory_space<hbm>>, %arg7: memref<2x16x5120xf32, #tpu.memory_space<hbm>>, %arg8: memref<250x80xi32, #tpu.memory_space<vmem>>, %arg9: memref<250x80xi32, #tpu.memory_space<vmem>>, %arg10: memref<80x128xf32, #tpu.memory_space<vmem>>, %arg11: memref<8x128xf32, #tpu.memory_space<vmem>>, %arg12: memref<5136xf32, #tpu.memory_space<vmem>>, %arg13: memref<5128x128xf32, #tpu.memory_space<vmem_shared>>, %arg14: memref<!tpu.dma_semaphore, #tpu.memory_space<semaphore_mem>>) attributes {dimension_semantics = [#tpu.dimension_semantics<core_parallel>, #tpu.dimension_semantics<subcore_parallel>], iteration_bounds = array<i64: 2, 16>, scalar_prefetch = 0 : i64, scratch_operands = 7 : i64, tpu.core_type = #tpu.core_type<sc_vector_subcore>, window_params = [{transform_indices = #map}, {transform_indices = #map1}, {transform_indices = #map1}, {transform_indices = #map}, {transform_indices = #map}, {transform_indices = #map1}]} {
    "tpu.region"() ({
      %run_scoped3A = tpu.sem_alloc : memref<!tpu.dma_semaphore, #tpu.memory_space<semaphore_mem>>
      tpu.enqueue_dma source(%arg5 : memref<8x128xf32, #tpu.memory_space<hbm>>) target(%arg11 : memref<8x128xf32, #tpu.memory_space<vmem>>) target_semaphore(%run_scoped3A : memref<!tpu.dma_semaphore, #tpu.memory_space<semaphore_mem>>)
      tpu.wait_dma2 semaphore(%run_scoped3A : memref<!tpu.dma_semaphore, #tpu.memory_space<semaphore_mem>>) src(%arg5 : memref<8x128xf32, #tpu.memory_space<hbm>>) dst(%arg11 : memref<8x128xf32, #tpu.memory_space<vmem>>)
      tpu.yield
    }) : () -> ()
    %broadcast_in_dim3A = arith.constant 0.000000e+00 : f32
    %broadcast_in_dim3A_0 = vector.broadcast %broadcast_in_dim3A : f32 to vector<16xf32>
    %scan3A = arith.constant 0 : i32
    %scan3A_1 = arith.constant 0 : i32
    %scan3A_2 = arith.constant 321 : i32
    %scan3A_3 = arith.addi %scan3A_1, %scan3A_2 : i32
    %scan3A_4 = arith.constant 1 : i32
    scf.for %scan3A_40 = %scan3A_1 to %scan3A_3 step %scan3A_4  : i32 {
      %mul3A_41 = arith.constant 16 : i32
      %mul3A_42 = arith.muli %scan3A_40, %mul3A_41 : i32
      %swap3A = arith.index_cast %mul3A_42 : i32 to index
      %swap3A_43 = tpu.vector_load %arg12[%swap3A] {strides = array<i32>} : memref<5136xf32, #tpu.memory_space<vmem>>, vector<16xf32>,
      tpu.vector_store %arg12[%swap3A], %broadcast_in_dim3A_0 {strides = array<i32>} : memref<5136xf32, #tpu.memory_space<vmem>>, vector<16xf32>,
    }
    %scan3A_5 = arith.constant 321 : i32
    %mul3A = arith.constant 320 : i32
    %mul3A_6 = arith.muli %arg1, %mul3A : i32
    %scan3A_7 = arith.constant 0 : i32
    %scan3A_8 = arith.constant 0 : i32
    %scan3A_9 = arith.constant 40 : i32
    %scan3A_10 = arith.addi %scan3A_8, %scan3A_9 : i32
    %scan3A_11 = arith.constant 1 : i32
    scf.for %scan3A_40 = %scan3A_8 to %scan3A_10 step %scan3A_11  : i32 {
      %mul3A_41 = arith.constant 8 : i32
      %mul3A_42 = arith.muli %scan3A_40, %mul3A_41 : i32
      %add3A_43 = arith.addi %mul3A_6, %mul3A_42 : i32
      "tpu.region"() ({
        %run_scoped3A = tpu.sem_alloc : memref<!tpu.dma_semaphore, #tpu.memory_space<semaphore_mem>>
        %dma_start3A = arith.constant 0 : i32
        %dma_start3A_44 = tpu.memref_slice %arg13[%add3A_43, %dma_start3A] : memref<5128x128xf32, #tpu.memory_space<vmem_shared>> -> memref<8x128xf32, #tpu.memory_space<vmem_shared>>
        %dma_start3A_45 = arith.constant 0 : i32
        %dma_start3A_46 = tpu.memref_slice %arg13[%add3A_43, %dma_start3A_45] : memref<5128x128xf32, #tpu.memory_space<vmem_shared>> -> memref<8x128xf32, #tpu.memory_space<vmem_shared>>
        tpu.enqueue_dma source(%arg11 : memref<8x128xf32, #tpu.memory_space<vmem>>) target(%dma_start3A_46 : memref<8x128xf32, #tpu.memory_space<vmem_shared>>) target_semaphore(%run_scoped3A : memref<!tpu.dma_semaphore, #tpu.memory_space<semaphore_mem>>)
        %dma_wait3A = arith.constant 0 : i32
        %dma_wait3A_47 = tpu.memref_slice %arg13[%add3A_43, %dma_wait3A] : memref<5128x128xf32, #tpu.memory_space<vmem_shared>> -> memref<8x128xf32, #tpu.memory_space<vmem_shared>>
        %dma_wait3A_48 = arith.constant 0 : i32
        %dma_wait3A_49 = tpu.memref_slice %arg13[%add3A_43, %dma_wait3A_48] : memref<5128x128xf32, #tpu.memory_space<vmem_shared>> -> memref<8x128xf32, #tpu.memory_space<vmem_shared>>
        tpu.wait_dma2 semaphore(%run_scoped3A : memref<!tpu.dma_semaphore, #tpu.memory_space<semaphore_mem>>) src(%arg11 : memref<8x128xf32, #tpu.memory_space<vmem>>) dst(%dma_wait3A_49 : memref<8x128xf32, #tpu.memory_space<vmem_shared>>)
        tpu.yield
      }) : () -> ()
    }
    %scan3A_12 = arith.constant 40 : i32
    %eq3A = arith.constant 15 : i32
    %eq3A_13 = arith.cmpi eq, %arg1, %eq3A : i32
    %convert_element_type3A = arith.extui %eq3A_13 : i1 to i32
    %cond3A = arith.constant 0 : i32
    %cond3A_14 = arith.cmpi ne, %convert_element_type3A, %cond3A : i32
    scf.if %cond3A_14 {
      "tpu.region"() ({
        %run_scoped3A = tpu.sem_alloc : memref<!tpu.dma_semaphore, #tpu.memory_space<semaphore_mem>>
        %dma_start3A = arith.constant 5120 : i32
        %dma_start3A_40 = arith.constant 0 : i32
        %dma_start3A_41 = tpu.memref_slice %arg13[%dma_start3A, %dma_start3A_40] : memref<5128x128xf32, #tpu.memory_space<vmem_shared>> -> memref<8x128xf32, #tpu.memory_space<vmem_shared>>
        %dma_start3A_42 = arith.constant 5120 : i32
        %dma_start3A_43 = arith.constant 0 : i32
        %dma_start3A_44 = tpu.memref_slice %arg13[%dma_start3A_42, %dma_start3A_43] : memref<5128x128xf32, #tpu.memory_space<vmem_shared>> -> memref<8x128xf32, #tpu.memory_space<vmem_shared>>
        tpu.enqueue_dma source(%arg11 : memref<8x128xf32, #tpu.memory_space<vmem>>) target(%dma_start3A_44 : memref<8x128xf32, #tpu.memory_space<vmem_shared>>) target_semaphore(%run_scoped3A : memref<!tpu.dma_semaphore, #tpu.memory_space<semaphore_mem>>)
        %dma_wait3A = arith.constant 5120 : i32
        %dma_wait3A_45 = arith.constant 0 : i32
        %dma_wait3A_46 = tpu.memref_slice %arg13[%dma_wait3A, %dma_wait3A_45] : memref<5128x128xf32, #tpu.memory_space<vmem_shared>> -> memref<8x128xf32, #tpu.memory_space<vmem_shared>>
        %dma_wait3A_47 = arith.constant 5120 : i32
        %dma_wait3A_48 = arith.constant 0 : i32
        %dma_wait3A_49 = tpu.memref_slice %arg13[%dma_wait3A_47, %dma_wait3A_48] : memref<5128x128xf32, #tpu.memory_space<vmem_shared>> -> memref<8x128xf32, #tpu.memory_space<vmem_shared>>
        tpu.wait_dma2 semaphore(%run_scoped3A : memref<!tpu.dma_semaphore, #tpu.memory_space<semaphore_mem>>) src(%arg11 : memref<8x128xf32, #tpu.memory_space<vmem>>) dst(%dma_wait3A_49 : memref<8x128xf32, #tpu.memory_space<vmem_shared>>)
        tpu.yield
      }) : () -> ()
    } else {
    }
    "tpu.region"() ({
      %run_scoped3A = tpu.sem_alloc : memref<!tpu.dma_semaphore, #tpu.memory_space<semaphore_mem>>
      %dma_start3A = arith.constant 0 : i32
      %dma_start3A_40 = arith.constant 0 : i32
      %dma_start3A_41 = tpu.memref_slice %arg3[%arg1, %dma_start3A, %dma_start3A_40] : memref<16x250x80xi32, #tpu.memory_space<hbm>> -> memref<1x250x80xi32, #tpu.memory_space<hbm>>
      %dma_start3A_42 = tpu.memref_squeeze %dma_start3A_41 : memref<1x250x80xi32, #tpu.memory_space<hbm>> -> memref<250x80xi32, #tpu.memory_space<hbm>>
      %dma_start3A_43 = arith.constant 0 : i32
      %dma_start3A_44 = arith.constant 0 : i32
      %dma_start3A_45 = tpu.memref_slice %arg3[%arg1, %dma_start3A_43, %dma_start3A_44] : memref<16x250x80xi32, #tpu.memory_space<hbm>> -> memref<1x250x80xi32, #tpu.memory_space<hbm>>
      %dma_start3A_46 = tpu.memref_squeeze %dma_start3A_45 : memref<1x250x80xi32, #tpu.memory_space<hbm>> -> memref<250x80xi32, #tpu.memory_space<hbm>>
      tpu.enqueue_dma source(%dma_start3A_46 : memref<250x80xi32, #tpu.memory_space<hbm>>) target(%arg8 : memref<250x80xi32, #tpu.memory_space<vmem>>) target_semaphore(%run_scoped3A : memref<!tpu.dma_semaphore, #tpu.memory_space<semaphore_mem>>)
      %dma_wait3A = arith.constant 0 : i32
      %dma_wait3A_47 = arith.constant 0 : i32
      %dma_wait3A_48 = tpu.memref_slice %arg3[%arg1, %dma_wait3A, %dma_wait3A_47] : memref<16x250x80xi32, #tpu.memory_space<hbm>> -> memref<1x250x80xi32, #tpu.memory_space<hbm>>
      %dma_wait3A_49 = tpu.memref_squeeze %dma_wait3A_48 : memref<1x250x80xi32, #tpu.memory_space<hbm>> -> memref<250x80xi32, #tpu.memory_space<hbm>>
      %dma_wait3A_50 = arith.constant 0 : i32
      %dma_wait3A_51 = arith.constant 0 : i32
      %dma_wait3A_52 = tpu.memref_slice %arg3[%arg1, %dma_wait3A_50, %dma_wait3A_51] : memref<16x250x80xi32, #tpu.memory_space<hbm>> -> memref<1x250x80xi32, #tpu.memory_space<hbm>>
      %dma_wait3A_53 = tpu.memref_squeeze %dma_wait3A_52 : memref<1x250x80xi32, #tpu.memory_space<hbm>> -> memref<250x80xi32, #tpu.memory_space<hbm>>
      tpu.wait_dma2 semaphore(%run_scoped3A : memref<!tpu.dma_semaphore, #tpu.memory_space<semaphore_mem>>) src(%dma_wait3A_53 : memref<250x80xi32, #tpu.memory_space<hbm>>) dst(%arg8 : memref<250x80xi32, #tpu.memory_space<vmem>>)
      tpu.yield
    }) : () -> ()
    "tpu.region"() ({
      %run_scoped3A = tpu.sem_alloc : memref<!tpu.dma_semaphore, #tpu.memory_space<semaphore_mem>>
      %dma_start3A = arith.constant 0 : i32
      %dma_start3A_40 = arith.constant 0 : i32
      %dma_start3A_41 = tpu.memref_slice %arg4[%arg1, %dma_start3A, %dma_start3A_40] : memref<16x250x80xi32, #tpu.memory_space<hbm>> -> memref<1x250x80xi32, #tpu.memory_space<hbm>>
      %dma_start3A_42 = tpu.memref_squeeze %dma_start3A_41 : memref<1x250x80xi32, #tpu.memory_space<hbm>> -> memref<250x80xi32, #tpu.memory_space<hbm>>
      %dma_start3A_43 = arith.constant 0 : i32
      %dma_start3A_44 = arith.constant 0 : i32
      %dma_start3A_45 = tpu.memref_slice %arg4[%arg1, %dma_start3A_43, %dma_start3A_44] : memref<16x250x80xi32, #tpu.memory_space<hbm>> -> memref<1x250x80xi32, #tpu.memory_space<hbm>>
      %dma_start3A_46 = tpu.memref_squeeze %dma_start3A_45 : memref<1x250x80xi32, #tpu.memory_space<hbm>> -> memref<250x80xi32, #tpu.memory_space<hbm>>
      tpu.enqueue_dma source(%dma_start3A_46 : memref<250x80xi32, #tpu.memory_space<hbm>>) target(%arg9 : memref<250x80xi32, #tpu.memory_space<vmem>>) target_semaphore(%run_scoped3A : memref<!tpu.dma_semaphore, #tpu.memory_space<semaphore_mem>>)
      %dma_wait3A = arith.constant 0 : i32
      %dma_wait3A_47 = arith.constant 0 : i32
      %dma_wait3A_48 = tpu.memref_slice %arg4[%arg1, %dma_wait3A, %dma_wait3A_47] : memref<16x250x80xi32, #tpu.memory_space<hbm>> -> memref<1x250x80xi32, #tpu.memory_space<hbm>>
      %dma_wait3A_49 = tpu.memref_squeeze %dma_wait3A_48 : memref<1x250x80xi32, #tpu.memory_space<hbm>> -> memref<250x80xi32, #tpu.memory_space<hbm>>
      %dma_wait3A_50 = arith.constant 0 : i32
      %dma_wait3A_51 = arith.constant 0 : i32
      %dma_wait3A_52 = tpu.memref_slice %arg4[%arg1, %dma_wait3A_50, %dma_wait3A_51] : memref<16x250x80xi32, #tpu.memory_space<hbm>> -> memref<1x250x80xi32, #tpu.memory_space<hbm>>
      %dma_wait3A_53 = tpu.memref_squeeze %dma_wait3A_52 : memref<1x250x80xi32, #tpu.memory_space<hbm>> -> memref<250x80xi32, #tpu.memory_space<hbm>>
      tpu.wait_dma2 semaphore(%run_scoped3A : memref<!tpu.dma_semaphore, #tpu.memory_space<semaphore_mem>>) src(%dma_wait3A_53 : memref<250x80xi32, #tpu.memory_space<hbm>>) dst(%arg9 : memref<250x80xi32, #tpu.memory_space<vmem>>)
      tpu.yield
    }) : () -> ()
    %mul3A_15 = arith.constant 5120 : i32
    %mul3A_16 = arith.muli %arg0, %mul3A_15 : i32
    %add3A = arith.constant 5120 : i32
    %add3A_17 = arith.addi %mul3A_16, %add3A : i32
    %broadcast_in_dim3A_18 = arith.constant 5120 : i32
    %broadcast_in_dim3A_19 = vector.broadcast %broadcast_in_dim3A_18 : i32 to vector<16xi32>
    %scan3A_20 = arith.constant 0 : i32
    %scan3A_21 = arith.constant 0 : i32
    %scan3A_22 = arith.constant 250 : i32
    %scan3A_23 = arith.addi %scan3A_21, %scan3A_22 : i32
    %scan3A_24 = arith.constant 1 : i32
    scf.for %scan3A_40 = %scan3A_21 to %scan3A_23 step %scan3A_24  : i32 {
      %get3A = arith.index_cast %scan3A_40 : i32 to index
      %get3A_41 = arith.constant 0 : index
      %get3A_42 = tpu.vector_load %arg9[%get3A, %get3A_41] {strides = array<i32>} : memref<250x80xi32, #tpu.memory_space<vmem>>, vector<16xi32>,
      %ge3A = vector.broadcast %mul3A_16 : i32 to vector<16xi32>
      %ge3A_43 = arith.cmpi sge, %get3A_42, %ge3A : vector<16xi32>
      %lt3A = vector.broadcast %add3A_17 : i32 to vector<16xi32>
      %lt3A_44 = arith.cmpi slt, %get3A_42, %lt3A : vector<16xi32>
      %and3A = arith.andi %ge3A_43, %lt3A_44 : vector<16xi1>
      %sub3A = vector.broadcast %mul3A_16 : i32 to vector<16xi32>
      %sub3A_45 = arith.subi %get3A_42, %sub3A : vector<16xi32>
      %select_n3A = arith.select %and3A, %sub3A_45, %broadcast_in_dim3A_19 : vector<16xi1>, vector<16xi32>
      %swap3A = arith.index_cast %scan3A_40 : i32 to index
      %swap3A_46 = arith.constant 0 : index
      %swap3A_47 = tpu.vector_load %arg9[%swap3A, %swap3A_46] {strides = array<i32>} : memref<250x80xi32, #tpu.memory_space<vmem>>, vector<16xi32>,
      tpu.vector_store %arg9[%swap3A, %swap3A_46], %select_n3A {strides = array<i32>} : memref<250x80xi32, #tpu.memory_space<vmem>>, vector<16xi32>,
      %get3A_48 = arith.index_cast %scan3A_40 : i32 to index
      %get3A_49 = arith.constant 16 : index
      %get3A_50 = tpu.vector_load %arg9[%get3A_48, %get3A_49] {strides = array<i32>} : memref<250x80xi32, #tpu.memory_space<vmem>>, vector<16xi32>,
      %ge3A_51 = vector.broadcast %mul3A_16 : i32 to vector<16xi32>
      %ge3A_52 = arith.cmpi sge, %get3A_50, %ge3A_51 : vector<16xi32>
      %lt3A_53 = vector.broadcast %add3A_17 : i32 to vector<16xi32>
      %lt3A_54 = arith.cmpi slt, %get3A_50, %lt3A_53 : vector<16xi32>
      %and3A_55 = arith.andi %ge3A_52, %lt3A_54 : vector<16xi1>
      %sub3A_56 = vector.broadcast %mul3A_16 : i32 to vector<16xi32>
      %sub3A_57 = arith.subi %get3A_50, %sub3A_56 : vector<16xi32>
      %select_n3A_58 = arith.select %and3A_55, %sub3A_57, %broadcast_in_dim3A_19 : vector<16xi1>, vector<16xi32>
      %swap3A_59 = arith.index_cast %scan3A_40 : i32 to index
      %swap3A_60 = arith.constant 16 : index
      %swap3A_61 = tpu.vector_load %arg9[%swap3A_59, %swap3A_60] {strides = array<i32>} : memref<250x80xi32, #tpu.memory_space<vmem>>, vector<16xi32>,
      tpu.vector_store %arg9[%swap3A_59, %swap3A_60], %select_n3A_58 {strides = array<i32>} : memref<250x80xi32, #tpu.memory_space<vmem>>, vector<16xi32>,
      %get3A_62 = arith.index_cast %scan3A_40 : i32 to index
      %get3A_63 = arith.constant 32 : index
      %get3A_64 = tpu.vector_load %arg9[%get3A_62, %get3A_63] {strides = array<i32>} : memref<250x80xi32, #tpu.memory_space<vmem>>, vector<16xi32>,
      %ge3A_65 = vector.broadcast %mul3A_16 : i32 to vector<16xi32>
      %ge3A_66 = arith.cmpi sge, %get3A_64, %ge3A_65 : vector<16xi32>
      %lt3A_67 = vector.broadcast %add3A_17 : i32 to vector<16xi32>
      %lt3A_68 = arith.cmpi slt, %get3A_64, %lt3A_67 : vector<16xi32>
      %and3A_69 = arith.andi %ge3A_66, %lt3A_68 : vector<16xi1>
      %sub3A_70 = vector.broadcast %mul3A_16 : i32 to vector<16xi32>
      %sub3A_71 = arith.subi %get3A_64, %sub3A_70 : vector<16xi32>
      %select_n3A_72 = arith.select %and3A_69, %sub3A_71, %broadcast_in_dim3A_19 : vector<16xi1>, vector<16xi32>
      %swap3A_73 = arith.index_cast %scan3A_40 : i32 to index
      %swap3A_74 = arith.constant 32 : index
      %swap3A_75 = tpu.vector_load %arg9[%swap3A_73, %swap3A_74] {strides = array<i32>} : memref<250x80xi32, #tpu.memory_space<vmem>>, vector<16xi32>,
      tpu.vector_store %arg9[%swap3A_73, %swap3A_74], %select_n3A_72 {strides = array<i32>} : memref<250x80xi32, #tpu.memory_space<vmem>>, vector<16xi32>,
      %get3A_76 = arith.index_cast %scan3A_40 : i32 to index
      %get3A_77 = arith.constant 48 : index
      %get3A_78 = tpu.vector_load %arg9[%get3A_76, %get3A_77] {strides = array<i32>} : memref<250x80xi32, #tpu.memory_space<vmem>>, vector<16xi32>,
      %ge3A_79 = vector.broadcast %mul3A_16 : i32 to vector<16xi32>
      %ge3A_80 = arith.cmpi sge, %get3A_78, %ge3A_79 : vector<16xi32>
      %lt3A_81 = vector.broadcast %add3A_17 : i32 to vector<16xi32>
      %lt3A_82 = arith.cmpi slt, %get3A_78, %lt3A_81 : vector<16xi32>
      %and3A_83 = arith.andi %ge3A_80, %lt3A_82 : vector<16xi1>
      %sub3A_84 = vector.broadcast %mul3A_16 : i32 to vector<16xi32>
      %sub3A_85 = arith.subi %get3A_78, %sub3A_84 : vector<16xi32>
      %select_n3A_86 = arith.select %and3A_83, %sub3A_85, %broadcast_in_dim3A_19 : vector<16xi1>, vector<16xi32>
      %swap3A_87 = arith.index_cast %scan3A_40 : i32 to index
      %swap3A_88 = arith.constant 48 : index
      %swap3A_89 = tpu.vector_load %arg9[%swap3A_87, %swap3A_88] {strides = array<i32>} : memref<250x80xi32, #tpu.memory_space<vmem>>, vector<16xi32>,
      tpu.vector_store %arg9[%swap3A_87, %swap3A_88], %select_n3A_86 {strides = array<i32>} : memref<250x80xi32, #tpu.memory_space<vmem>>, vector<16xi32>,
      %get3A_90 = arith.index_cast %scan3A_40 : i32 to index
      %get3A_91 = arith.constant 64 : index
      %get3A_92 = tpu.vector_load %arg9[%get3A_90, %get3A_91] {strides = array<i32>} : memref<250x80xi32, #tpu.memory_space<vmem>>, vector<16xi32>,
      %ge3A_93 = vector.broadcast %mul3A_16 : i32 to vector<16xi32>
      %ge3A_94 = arith.cmpi sge, %get3A_92, %ge3A_93 : vector<16xi32>
      %lt3A_95 = vector.broadcast %add3A_17 : i32 to vector<16xi32>
      %lt3A_96 = arith.cmpi slt, %get3A_92, %lt3A_95 : vector<16xi32>
      %and3A_97 = arith.andi %ge3A_94, %lt3A_96 : vector<16xi1>
      %sub3A_98 = vector.broadcast %mul3A_16 : i32 to vector<16xi32>
      %sub3A_99 = arith.subi %get3A_92, %sub3A_98 : vector<16xi32>
      %select_n3A_100 = arith.select %and3A_97, %sub3A_99, %broadcast_in_dim3A_19 : vector<16xi1>, vector<16xi32>
      %swap3A_101 = arith.index_cast %scan3A_40 : i32 to index
      %swap3A_102 = arith.constant 64 : index
      %swap3A_103 = tpu.vector_load %arg9[%swap3A_101, %swap3A_102] {strides = array<i32>} : memref<250x80xi32, #tpu.memory_space<vmem>>, vector<16xi32>,
      tpu.vector_store %arg9[%swap3A_101, %swap3A_102], %select_n3A_100 {strides = array<i32>} : memref<250x80xi32, #tpu.memory_space<vmem>>, vector<16xi32>,
    }
    %scan3A_25 = arith.constant 250 : i32
    %barrier3A = arith.constant 0 : index
    tpu.barrier barrier_id(%barrier3A)
    %broadcast_in_dim3A_26 = arith.constant 1.000000e+00 : f32
    %broadcast_in_dim3A_27 = vector.broadcast %broadcast_in_dim3A_26 : f32 to vector<16xf32>
    %scan3A_28 = arith.constant 0 : i32
    %scan3A_29 = arith.constant 0 : i32
    %scan3A_30 = arith.constant 250 : i32
    %scan3A_31 = arith.addi %scan3A_29, %scan3A_30 : i32
    %scan3A_32 = arith.constant 1 : i32
    scf.for %scan3A_40 = %scan3A_29 to %scan3A_31 step %scan3A_32  : i32 {
      %dma_start3A = arith.constant 0 : i32
      %dma_start3A_41 = tpu.memref_slice %arg8[%scan3A_40, %dma_start3A] : memref<250x80xi32, #tpu.memory_space<vmem>> -> memref<1x80xi32, #tpu.memory_space<vmem>>
      %dma_start3A_42 = tpu.memref_squeeze %dma_start3A_41 : memref<1x80xi32, #tpu.memory_space<vmem>> -> memref<80xi32, #tpu.memory_space<vmem>>
      %dma_start3A_43 = arith.constant 0 : i32
      %dma_start3A_44 = arith.constant 0 : i32
      %dma_start3A_45 = tpu.memref_slice %arg2[%dma_start3A_43, %dma_start3A_44] : memref<10240x128xf32, #tpu.memory_space<hbm>> -> memref<10240x128xf32, #tpu.memory_space<hbm>>
      tpu.enqueue_indirect_dma source(%dma_start3A_45 : memref<10240x128xf32, #tpu.memory_space<hbm>>) target(%arg10 : memref<80x128xf32, #tpu.memory_space<vmem>>) offsets(%dma_start3A_42 : memref<80xi32, #tpu.memory_space<vmem>>) semaphore(%arg14 : memref<!tpu.dma_semaphore, #tpu.memory_space<semaphore_mem>>)
      %dma_wait3A = arith.constant 0 : i32
      %dma_wait3A_46 = tpu.memref_slice %arg8[%scan3A_40, %dma_wait3A] : memref<250x80xi32, #tpu.memory_space<vmem>> -> memref<1x80xi32, #tpu.memory_space<vmem>>
      %dma_wait3A_47 = tpu.memref_squeeze %dma_wait3A_46 : memref<1x80xi32, #tpu.memory_space<vmem>> -> memref<80xi32, #tpu.memory_space<vmem>>
      %dma_wait3A_48 = arith.constant 0 : i32
      %dma_wait3A_49 = arith.constant 0 : i32
      %dma_wait3A_50 = tpu.memref_slice %arg2[%dma_wait3A_48, %dma_wait3A_49] : memref<10240x128xf32, #tpu.memory_space<hbm>> -> memref<10240x128xf32, #tpu.memory_space<hbm>>
      tpu.wait_indirect_dma semaphore(%arg14 : memref<!tpu.dma_semaphore, #tpu.memory_space<semaphore_mem>>) src(%dma_wait3A_50 : memref<10240x128xf32, #tpu.memory_space<hbm>>) dst(%arg10 : memref<80x128xf32, #tpu.memory_space<vmem>>)
      "tpu.region"() ({
        %run_scoped3A = tpu.sem_alloc : memref<!tpu.dma_semaphore, #tpu.memory_space<semaphore_mem>>
        %dma_start3A_98 = arith.constant 0 : i32
        %dma_start3A_99 = tpu.memref_slice %arg9[%scan3A_40, %dma_start3A_98] : memref<250x80xi32, #tpu.memory_space<vmem>> -> memref<1x80xi32, #tpu.memory_space<vmem>>
        %dma_start3A_100 = tpu.memref_squeeze %dma_start3A_99 : memref<1x80xi32, #tpu.memory_space<vmem>> -> memref<80xi32, #tpu.memory_space<vmem>>
        %dma_start3A_101 = arith.constant 0 : i32
        %dma_start3A_102 = arith.constant 0 : i32
        %dma_start3A_103 = tpu.memref_slice %arg13[%dma_start3A_101, %dma_start3A_102] : memref<5128x128xf32, #tpu.memory_space<vmem_shared>> -> memref<5128x128xf32, #tpu.memory_space<vmem_shared>>
        tpu.enqueue_indirect_dma source(%arg10 : memref<80x128xf32, #tpu.memory_space<vmem>>) target(%dma_start3A_103 : memref<5128x128xf32, #tpu.memory_space<vmem_shared>>) offsets(%dma_start3A_100 : memref<80xi32, #tpu.memory_space<vmem>>) semaphore(%run_scoped3A : memref<!tpu.dma_semaphore, #tpu.memory_space<semaphore_mem>>) {add = true}
        %dma_wait3A_104 = arith.constant 0 : i32
        %dma_wait3A_105 = tpu.memref_slice %arg9[%scan3A_40, %dma_wait3A_104] : memref<250x80xi32, #tpu.memory_space<vmem>> -> memref<1x80xi32, #tpu.memory_space<vmem>>
        %dma_wait3A_106 = tpu.memref_squeeze %dma_wait3A_105 : memref<1x80xi32, #tpu.memory_space<vmem>> -> memref<80xi32, #tpu.memory_space<vmem>>
        %dma_wait3A_107 = arith.constant 0 : i32
        %dma_wait3A_108 = arith.constant 0 : i32
        %dma_wait3A_109 = tpu.memref_slice %arg13[%dma_wait3A_107, %dma_wait3A_108] : memref<5128x128xf32, #tpu.memory_space<vmem_shared>> -> memref<5128x128xf32, #tpu.memory_space<vmem_shared>>
        tpu.wait_indirect_dma semaphore(%run_scoped3A : memref<!tpu.dma_semaphore, #tpu.memory_space<semaphore_mem>>) src(%arg10 : memref<80x128xf32, #tpu.memory_space<vmem>>) dst(%dma_wait3A_109 : memref<5128x128xf32, #tpu.memory_space<vmem_shared>>)
        tpu.yield
      }) : () -> ()
      %get3A = arith.index_cast %scan3A_40 : i32 to index
      %get3A_51 = arith.constant 0 : index
      %get3A_52 = tpu.vector_load %arg9[%get3A, %get3A_51] {strides = array<i32>} : memref<250x80xi32, #tpu.memory_space<vmem>>, vector<16xi32>,
      %broadcast_in_dim3A_53 = arith.constant true
      %broadcast_in_dim3A_54 = vector.broadcast %broadcast_in_dim3A_53 : i1 to vector<16xi1>
      %unique3A, %unique3A_55 = tpu.scan_count mask(%broadcast_in_dim3A_54 : vector<16xi1>) value(%get3A_52 : vector<16xi32>) : vector<16xi1>, vector<16xi32>
      %gather3A = tpu.vector_load_idx %arg12[%get3A_52] : memref<5136xf32, #tpu.memory_space<vmem>>[vector<16xi32>], vector<16xf32>,
      %convert_element_type3A_56 = arith.sitofp %unique3A_55 : vector<16xi32> to vector<16xf32>
      %add3A_57 = arith.addf %gather3A, %convert_element_type3A_56 : vector<16xf32>
      tpu.vector_store_idx %arg12[%get3A_52], %add3A_57 masked %unique3A : memref<5136xf32, #tpu.memory_space<vmem>>[vector<16xi32>], vector<16xf32>, vector<16xi1>
      %get3A_58 = arith.index_cast %scan3A_40 : i32 to index
      %get3A_59 = arith.constant 16 : index
      %get3A_60 = tpu.vector_load %arg9[%get3A_58, %get3A_59] {strides = array<i32>} : memref<250x80xi32, #tpu.memory_space<vmem>>, vector<16xi32>,
      %broadcast_in_dim3A_61 = arith.constant true
      %broadcast_in_dim3A_62 = vector.broadcast %broadcast_in_dim3A_61 : i1 to vector<16xi1>
      %unique3A_63, %unique3A_64 = tpu.scan_count mask(%broadcast_in_dim3A_62 : vector<16xi1>) value(%get3A_60 : vector<16xi32>) : vector<16xi1>, vector<16xi32>
      %gather3A_65 = tpu.vector_load_idx %arg12[%get3A_60] : memref<5136xf32, #tpu.memory_space<vmem>>[vector<16xi32>], vector<16xf32>,
      %convert_element_type3A_66 = arith.sitofp %unique3A_64 : vector<16xi32> to vector<16xf32>
      %add3A_67 = arith.addf %gather3A_65, %convert_element_type3A_66 : vector<16xf32>
      tpu.vector_store_idx %arg12[%get3A_60], %add3A_67 masked %unique3A_63 : memref<5136xf32, #tpu.memory_space<vmem>>[vector<16xi32>], vector<16xf32>, vector<16xi1>
      %get3A_68 = arith.index_cast %scan3A_40 : i32 to index
      %get3A_69 = arith.constant 32 : index
      %get3A_70 = tpu.vector_load %arg9[%get3A_68, %get3A_69] {strides = array<i32>} : memref<250x80xi32, #tpu.memory_space<vmem>>, vector<16xi32>,
      %broadcast_in_dim3A_71 = arith.constant true
      %broadcast_in_dim3A_72 = vector.broadcast %broadcast_in_dim3A_71 : i1 to vector<16xi1>
      %unique3A_73, %unique3A_74 = tpu.scan_count mask(%broadcast_in_dim3A_72 : vector<16xi1>) value(%get3A_70 : vector<16xi32>) : vector<16xi1>, vector<16xi32>
      %gather3A_75 = tpu.vector_load_idx %arg12[%get3A_70] : memref<5136xf32, #tpu.memory_space<vmem>>[vector<16xi32>], vector<16xf32>,
      %convert_element_type3A_76 = arith.sitofp %unique3A_74 : vector<16xi32> to vector<16xf32>
      %add3A_77 = arith.addf %gather3A_75, %convert_element_type3A_76 : vector<16xf32>
      tpu.vector_store_idx %arg12[%get3A_70], %add3A_77 masked %unique3A_73 : memref<5136xf32, #tpu.memory_space<vmem>>[vector<16xi32>], vector<16xf32>, vector<16xi1>
      %get3A_78 = arith.index_cast %scan3A_40 : i32 to index
      %get3A_79 = arith.constant 48 : index
      %get3A_80 = tpu.vector_load %arg9[%get3A_78, %get3A_79] {strides = array<i32>} : memref<250x80xi32, #tpu.memory_space<vmem>>, vector<16xi32>,
      %broadcast_in_dim3A_81 = arith.constant true
      %broadcast_in_dim3A_82 = vector.broadcast %broadcast_in_dim3A_81 : i1 to vector<16xi1>
      %unique3A_83, %unique3A_84 = tpu.scan_count mask(%broadcast_in_dim3A_82 : vector<16xi1>) value(%get3A_80 : vector<16xi32>) : vector<16xi1>, vector<16xi32>
      %gather3A_85 = tpu.vector_load_idx %arg12[%get3A_80] : memref<5136xf32, #tpu.memory_space<vmem>>[vector<16xi32>], vector<16xf32>,
      %convert_element_type3A_86 = arith.sitofp %unique3A_84 : vector<16xi32> to vector<16xf32>
      %add3A_87 = arith.addf %gather3A_85, %convert_element_type3A_86 : vector<16xf32>
      tpu.vector_store_idx %arg12[%get3A_80], %add3A_87 masked %unique3A_83 : memref<5136xf32, #tpu.memory_space<vmem>>[vector<16xi32>], vector<16xf32>, vector<16xi1>
      %get3A_88 = arith.index_cast %scan3A_40 : i32 to index
      %get3A_89 = arith.constant 64 : index
      %get3A_90 = tpu.vector_load %arg9[%get3A_88, %get3A_89] {strides = array<i32>} : memref<250x80xi32, #tpu.memory_space<vmem>>, vector<16xi32>,
      %broadcast_in_dim3A_91 = arith.constant true
      %broadcast_in_dim3A_92 = vector.broadcast %broadcast_in_dim3A_91 : i1 to vector<16xi1>
      %unique3A_93, %unique3A_94 = tpu.scan_count mask(%broadcast_in_dim3A_92 : vector<16xi1>) value(%get3A_90 : vector<16xi32>) : vector<16xi1>, vector<16xi32>
      %gather3A_95 = tpu.vector_load_idx %arg12[%get3A_90] : memref<5136xf32, #tpu.memory_space<vmem>>[vector<16xi32>], vector<16xf32>,
      %convert_element_type3A_96 = arith.sitofp %unique3A_94 : vector<16xi32> to vector<16xf32>
      %add3A_97 = arith.addf %gather3A_95, %convert_element_type3A_96 : vector<16xf32>
      tpu.vector_store_idx %arg12[%get3A_90], %add3A_97 masked %unique3A_93 : memref<5136xf32, #tpu.memory_space<vmem>>[vector<16xi32>], vector<16xf32>, vector<16xi1>
    }
    %scan3A_33 = arith.constant 250 : i32
    %barrier3A_34 = arith.constant 0 : index
    tpu.barrier barrier_id(%barrier3A_34)
    %mul3A_35 = arith.constant 320 : i32
    %mul3A_36 = arith.muli %arg1, %mul3A_35 : i32
    %mul3A_37 = arith.constant 5120 : i32
    %mul3A_38 = arith.muli %arg0, %mul3A_37 : i32
    %add3A_39 = arith.addi %mul3A_38, %mul3A_36 : i32
    "tpu.region"() ({
      %run_scoped3A = tpu.sem_alloc : memref<!tpu.dma_semaphore, #tpu.memory_space<semaphore_mem>>
      %dma_start3A = arith.constant 0 : i32
      %dma_start3A_40 = tpu.memref_slice %arg6[%add3A_39, %dma_start3A] : memref<10240x128xf32, #tpu.memory_space<hbm>> -> memref<320x128xf32, #tpu.memory_space<hbm>>
      %dma_start3A_41 = arith.constant 0 : i32
      %dma_start3A_42 = tpu.memref_slice %arg13[%mul3A_36, %dma_start3A_41] : memref<5128x128xf32, #tpu.memory_space<vmem_shared>> -> memref<320x128xf32, #tpu.memory_space<vmem_shared>>
      tpu.enqueue_dma source(%dma_start3A_42 : memref<320x128xf32, #tpu.memory_space<vmem_shared>>) target(%dma_start3A_40 : memref<320x128xf32, #tpu.memory_space<hbm>>) target_semaphore(%run_scoped3A : memref<!tpu.dma_semaphore, #tpu.memory_space<semaphore_mem>>)
      %dma_wait3A = arith.constant 0 : i32
      %dma_wait3A_43 = tpu.memref_slice %arg6[%add3A_39, %dma_wait3A] : memref<10240x128xf32, #tpu.memory_space<hbm>> -> memref<320x128xf32, #tpu.memory_space<hbm>>
      %dma_wait3A_44 = arith.constant 0 : i32
      %dma_wait3A_45 = tpu.memref_slice %arg13[%mul3A_36, %dma_wait3A_44] : memref<5128x128xf32, #tpu.memory_space<vmem_shared>> -> memref<320x128xf32, #tpu.memory_space<vmem_shared>>
      tpu.wait_dma2 semaphore(%run_scoped3A : memref<!tpu.dma_semaphore, #tpu.memory_space<semaphore_mem>>) src(%dma_wait3A_45 : memref<320x128xf32, #tpu.memory_space<vmem_shared>>) dst(%dma_wait3A_43 : memref<320x128xf32, #tpu.memory_space<hbm>>)
      tpu.yield
    }) : () -> ()
    "tpu.region"() ({
      %run_scoped3A = tpu.sem_alloc : memref<!tpu.dma_semaphore, #tpu.memory_space<semaphore_mem>>
      %dma_start3A = arith.constant 0 : i32
      %dma_start3A_40 = tpu.memref_slice %arg12[%dma_start3A] : memref<5136xf32, #tpu.memory_space<vmem>> -> memref<5120xf32, #tpu.memory_space<vmem>>
      %dma_start3A_41 = arith.constant 0 : i32
      %dma_start3A_42 = tpu.memref_slice %arg7[%arg0, %arg1, %dma_start3A_41] : memref<2x16x5120xf32, #tpu.memory_space<hbm>> -> memref<1x1x5120xf32, #tpu.memory_space<hbm>>
      %dma_start3A_43 = tpu.memref_squeeze %dma_start3A_42 : memref<1x1x5120xf32, #tpu.memory_space<hbm>> -> memref<5120xf32, #tpu.memory_space<hbm>>
      %dma_start3A_44 = arith.constant 0 : i32
      %dma_start3A_45 = tpu.memref_slice %arg7[%arg0, %arg1, %dma_start3A_44] : memref<2x16x5120xf32, #tpu.memory_space<hbm>> -> memref<1x1x5120xf32, #tpu.memory_space<hbm>>
      %dma_start3A_46 = tpu.memref_squeeze %dma_start3A_45 : memref<1x1x5120xf32, #tpu.memory_space<hbm>> -> memref<5120xf32, #tpu.memory_space<hbm>>
      %dma_start3A_47 = arith.constant 0 : i32
      %dma_start3A_48 = tpu.memref_slice %arg12[%dma_start3A_47] : memref<5136xf32, #tpu.memory_space<vmem>> -> memref<5120xf32, #tpu.memory_space<vmem>>
      tpu.enqueue_dma source(%dma_start3A_48 : memref<5120xf32, #tpu.memory_space<vmem>>) target(%dma_start3A_46 : memref<5120xf32, #tpu.memory_space<hbm>>) target_semaphore(%run_scoped3A : memref<!tpu.dma_semaphore, #tpu.memory_space<semaphore_mem>>)
      %dma_wait3A = arith.constant 0 : i32
      %dma_wait3A_49 = tpu.memref_slice %arg12[%dma_wait3A] : memref<5136xf32, #tpu.memory_space<vmem>> -> memref<5120xf32, #tpu.memory_space<vmem>>
      %dma_wait3A_50 = arith.constant 0 : i32
      %dma_wait3A_51 = tpu.memref_slice %arg7[%arg0, %arg1, %dma_wait3A_50] : memref<2x16x5120xf32, #tpu.memory_space<hbm>> -> memref<1x1x5120xf32, #tpu.memory_space<hbm>>
      %dma_wait3A_52 = tpu.memref_squeeze %dma_wait3A_51 : memref<1x1x5120xf32, #tpu.memory_space<hbm>> -> memref<5120xf32, #tpu.memory_space<hbm>>
      %dma_wait3A_53 = arith.constant 0 : i32
      %dma_wait3A_54 = tpu.memref_slice %arg7[%arg0, %arg1, %dma_wait3A_53] : memref<2x16x5120xf32, #tpu.memory_space<hbm>> -> memref<1x1x5120xf32, #tpu.memory_space<hbm>>
      %dma_wait3A_55 = tpu.memref_squeeze %dma_wait3A_54 : memref<1x1x5120xf32, #tpu.memory_space<hbm>> -> memref<5120xf32, #tpu.memory_space<hbm>>
      %dma_wait3A_56 = arith.constant 0 : i32
      %dma_wait3A_57 = tpu.memref_slice %arg12[%dma_wait3A_56] : memref<5136xf32, #tpu.memory_space<vmem>> -> memref<5120xf32, #tpu.memory_space<vmem>>
      tpu.wait_dma2 semaphore(%run_scoped3A : memref<!tpu.dma_semaphore, #tpu.memory_space<semaphore_mem>>) src(%dma_wait3A_57 : memref<5120xf32, #tpu.memory_space<vmem>>) dst(%dma_wait3A_55 : memref<5120xf32, #tpu.memory_space<hbm>>)
      tpu.yield
    }) : () -> ()
    return
  }
}

module attributes {stable_mosaic.version = 14 : i64} {
  func.func @body(%arg0: i32, %arg1: memref<1280x128xf32, #tpu.memory_space<vmem>>, %arg2: memref<1x16x1280xf32, #tpu.memory_space<vmem>>, %arg3: memref<1280x128xf32, #tpu.memory_space<vmem>>, %arg4: memref<128x128xf32, #tpu.memory_space<vmem>>, %arg5: memref<1x128xf32, #tpu.memory_space<vmem>>, %arg6: memref<128x128xf32, #tpu.memory_space<vmem>>, %arg7: memref<1280x128xf32, #tpu.memory_space<vmem>>) attributes {dimension_semantics = [#tpu.dimension_semantics<arbitrary>], iteration_bounds = array<i64: 8>, scalar_prefetch = 0 : i64, scratch_operands = 0 : i64, tpu.core_type = #tpu.core_type<tc>, window_params = [{transform_indices = @transform_0, window_bounds = array<i64: 1280, 128>}, {transform_indices = @transform_1, window_bounds = array<i64: 1, 16, 1280>}, {transform_indices = @transform_2, window_bounds = array<i64: 1280, 128>}, {pipeline_mode = #tpu.pipeline_mode<synchronous>, transform_indices = @transform_3, window_bounds = array<i64: 128, 128>}, {pipeline_mode = #tpu.pipeline_mode<synchronous>, transform_indices = @transform_4, window_bounds = array<i64: 1, 128>}, {pipeline_mode = #tpu.pipeline_mode<synchronous>, transform_indices = @transform_5, window_bounds = array<i64: 128, 128>}, {transform_indices = @transform_6, window_bounds = array<i64: 1280, 128>}]} {
    %get3A = arith.constant 0 : index
    %get3A_0 = arith.constant 0 : index
    %get3A_1 = arith.constant 0 : index
    %get3A_2 = vector.load %arg2[%get3A, %get3A_0, %get3A_1] : memref<1x16x1280xf32, #tpu.memory_space<vmem>>, vector<1x16x1280xf32>
    %get3A_3 = vector.shape_cast %get3A_2 : vector<1x16x1280xf32> to vector<16x1280xf32>
    %reduce_sum3A = arith.constant dense<0.000000e+00> : vector<1280xf32>
    %reduce_sum3A_4 = vector.multi_reduction <add>, %get3A_3, %reduce_sum3A [0] : vector<16x1280xf32> to vector<1280xf32>
    %jit3A = arith.constant 1.000000e+00 : f32
    %max3A = vector.broadcast %jit3A : f32 to vector<1280xf32>
    %max3A_5 = arith.maximumf %max3A, %reduce_sum3A_4 : vector<1280xf32>
    %div3A = arith.constant 1.000000e+00 : f32
    %div3A_6 = vector.broadcast %div3A : f32 to vector<1280xf32>
    %div3A_7 = arith.divf %div3A_6, %max3A_5 : vector<1280xf32>
    %get3A_8 = arith.constant 0 : index
    %get3A_9 = arith.constant 0 : index
    %get3A_10 = vector.load %arg1[%get3A_8, %get3A_9] : memref<1280x128xf32, #tpu.memory_space<vmem>>, vector<1280x128xf32>
    %broadcast_in_dim3A = vector.shape_cast %div3A_7 : vector<1280xf32> to vector<1280x1xf32>
    %mul3A = vector.broadcast %broadcast_in_dim3A : vector<1280x1xf32> to vector<1280x128xf32>
    %mul3A_11 = arith.mulf %get3A_10, %mul3A : vector<1280x128xf32>
    %get3A_12 = arith.constant 0 : index
    %get3A_13 = arith.constant 0 : index
    %get3A_14 = vector.load %arg4[%get3A_12, %get3A_13] : memref<128x128xf32, #tpu.memory_space<vmem>>, vector<128x128xf32>
    %dot_general3A = arith.constant dense<0.000000e+00> : vector<1280x128xf32>
    %dot_general3A_15 = tpu.matmul %mul3A_11, %get3A_14, %dot_general3A {dimension_numbers = #tpu.dot_dimension_numbers<[1], [0], [0], [1], [0, 0, 1, 1], [], []>, transpose_lhs_hint = false} : vector<1280x128xf32>, vector<128x128xf32>, vector<1280x128xf32> -> vector<1280x128xf32>
    %get3A_16 = arith.constant 0 : index
    %get3A_17 = arith.constant 0 : index
    %get3A_18 = vector.load %arg5[%get3A_16, %get3A_17] : memref<1x128xf32, #tpu.memory_space<vmem>>, vector<1x128xf32>
    %add3A = vector.broadcast %get3A_18 : vector<1x128xf32> to vector<1280x128xf32>
    %add3A_19 = arith.addf %dot_general3A_15, %add3A : vector<1280x128xf32>
    %get3A_20 = arith.constant 0 : index
    %get3A_21 = arith.constant 0 : index
    %get3A_22 = vector.load %arg3[%get3A_20, %get3A_21] : memref<1280x128xf32, #tpu.memory_space<vmem>>, vector<1280x128xf32>
    %get3A_23 = arith.constant 0 : index
    %get3A_24 = arith.constant 0 : index
    %get3A_25 = vector.load %arg6[%get3A_23, %get3A_24] : memref<128x128xf32, #tpu.memory_space<vmem>>, vector<128x128xf32>
    %dot_general3A_26 = arith.constant dense<0.000000e+00> : vector<1280x128xf32>
    %dot_general3A_27 = tpu.matmul %get3A_22, %get3A_25, %dot_general3A_26 {dimension_numbers = #tpu.dot_dimension_numbers<[1], [0], [0], [1], [0, 0, 1, 1], [], []>, transpose_lhs_hint = false} : vector<1280x128xf32>, vector<128x128xf32>, vector<1280x128xf32> -> vector<1280x128xf32>
    %add3A_28 = arith.addf %add3A_19, %dot_general3A_27 : vector<1280x128xf32>
    %swap3A = arith.constant 0 : index
    %swap3A_29 = arith.constant 0 : index
    %swap3A_30 = vector.load %arg7[%swap3A, %swap3A_29] : memref<1280x128xf32, #tpu.memory_space<vmem>>, vector<1280x128xf32>
    tpu.vector_store %arg7[%swap3A, %swap3A_29], %add3A_28 {strides = array<i32>} : memref<1280x128xf32, #tpu.memory_space<vmem>>, vector<1280x128xf32>,
    return
  }
  func.func @transform_0(%arg0: i32) -> (i32, i32) {
    %c0_i32 = arith.constant 0 : i32
    %c0_i32_0 = arith.constant 0 : i32
    return %arg0, %c0_i32 : i32, i32
  }
  func.func @transform_1(%arg0: i32) -> (i32, i32, i32) {
    %jit3A = arith.constant 4 : i32
    %div3A = arith.divsi %arg0, %jit3A : i32
    %sign3A = arith.constant 0 : i32
    %sign3A_0 = arith.cmpi sgt, %arg0, %sign3A : i32
    %sign3A_1 = arith.extui %sign3A_0 : i1 to i32
    %sign3A_2 = arith.constant 0 : i32
    %sign3A_3 = arith.cmpi slt, %arg0, %sign3A_2 : i32
    %sign3A_4 = arith.extui %sign3A_3 : i1 to i32
    %sign3A_5 = arith.subi %sign3A_1, %sign3A_4 : i32
    %sign3A_6 = arith.constant 0 : i32
    %sign3A_7 = arith.cmpi sgt, %jit3A, %sign3A_6 : i32
    %sign3A_8 = arith.extui %sign3A_7 : i1 to i32
    %sign3A_9 = arith.constant 0 : i32
    %sign3A_10 = arith.cmpi slt, %jit3A, %sign3A_9 : i32
    %sign3A_11 = arith.extui %sign3A_10 : i1 to i32
    %sign3A_12 = arith.subi %sign3A_8, %sign3A_11 : i32
    %ne3A = arith.cmpi ne, %sign3A_5, %sign3A_12 : i32
    %rem3A = arith.remsi %arg0, %jit3A : i32
    %ne3A_13 = arith.constant 0 : i32
    %ne3A_14 = arith.cmpi ne, %rem3A, %ne3A_13 : i32
    %and3A = arith.andi %ne3A, %ne3A_14 : i1
    %sub3A = arith.constant 1 : i32
    %sub3A_15 = arith.subi %div3A, %sub3A : i32
    %select_n3A = arith.select %and3A, %sub3A_15, %div3A : i32
    %jit3A_16 = arith.constant 4 : i32
    %eq3A = arith.constant 0 : i32
    %eq3A_17 = arith.cmpi eq, %jit3A_16, %eq3A : i32
    %jit3A_18 = arith.constant 1 : i32
    %select_n3A_19 = arith.select %eq3A_17, %jit3A_18, %jit3A_16 : i32
    %rem3A_20 = arith.remsi %arg0, %select_n3A_19 : i32
    %ne3A_21 = arith.constant 0 : i32
    %ne3A_22 = arith.cmpi ne, %rem3A_20, %ne3A_21 : i32
    %lt3A = arith.constant 0 : i32
    %lt3A_23 = arith.cmpi slt, %rem3A_20, %lt3A : i32
    %lt3A_24 = arith.constant 0 : i32
    %lt3A_25 = arith.cmpi slt, %select_n3A_19, %lt3A_24 : i32
    %ne3A_26 = arith.xori %lt3A_23, %lt3A_25 : i1
    %and3A_27 = arith.andi %ne3A_26, %ne3A_22 : i1
    %add3A = arith.addi %rem3A_20, %select_n3A_19 : i32
    %select_n3A_28 = arith.select %and3A_27, %add3A, %rem3A_20 : i32
    %c0_i32 = arith.constant 0 : i32
    %c0_i32_29 = arith.constant 0 : i32
    return %select_n3A, %c0_i32, %select_n3A_28 : i32, i32, i32
  }
  func.func @transform_2(%arg0: i32) -> (i32, i32) {
    %c0_i32 = arith.constant 0 : i32
    %c0_i32_0 = arith.constant 0 : i32
    return %arg0, %c0_i32 : i32, i32
  }
  func.func @transform_3(%arg0: i32) -> (i32, i32) {
    %c0_i32 = arith.constant 0 : i32
    %c0_i32_0 = arith.constant 0 : i32
    %c0_i32_1 = arith.constant 0 : i32
    return %c0_i32, %c0_i32_0 : i32, i32
  }
  func.func @transform_4(%arg0: i32) -> (i32, i32) {
    %c0_i32 = arith.constant 0 : i32
    %c0_i32_0 = arith.constant 0 : i32
    %c0_i32_1 = arith.constant 0 : i32
    return %c0_i32, %c0_i32_0 : i32, i32
  }
  func.func @transform_5(%arg0: i32) -> (i32, i32) {
    %c0_i32 = arith.constant 0 : i32
    %c0_i32_0 = arith.constant 0 : i32
    %c0_i32_1 = arith.constant 0 : i32
    return %c0_i32, %c0_i32_0 : i32, i32
  }
  func.func @transform_6(%arg0: i32) -> (i32, i32) {
    %c0_i32 = arith.constant 0 : i32
    %c0_i32_0 = arith.constant 0 : i32
    return %arg0, %c0_i32 : i32, i32
  }
}

</mosaic_0001>

<sc_bundles>
// kernel: kernel.4.cloned.1.call-start
scs
__scs_entry_jumppad:
0x0: {  	(pc) =	sbr.rel $0x88, $3  }
0x1: {  	(tag) =	ssettag $0x0;
	lr =	simm.s32 $0x1  }
0x2: {  	[smem:$0x3F9C] =	sst lr;
	_ =	strace $0xD0000000  }
0x3: {  	_ = 	snop  }
0x4: {  	_ = 	snop  }
0x5: {  	_ = 	snop  }
0x6: {  	_ = 	snop  }
0x7: {  	_ = 	snop  }
__scs_overlays_trampoline_lowered:
0x8: {  	[smem:$0x3FAB] =	sst s0  }
0x9: {  	[smem:$0x3FAC] =	sst s1  }
0xa: {  	[smem:$0x3FAD] =	sst s2  }
0xb: {  	[smem:$0x3FAE] =	sst s3  }
0xc: {  	[smem:$0x3FAF] =	sst s4  }
0xd: {  	[smem:$0x3FB0] =	sst s5  }
0xe: {  	[smem:$0x3FB1] =	sst s6  }
0xf: {  	[smem:$0x3FB2] =	sst s7  }
0x10: {  	[smem:$0x3FB3] =	sst s8  }
0x11: {  	[smem:$0x3FB4] =	sst s9;
	s0 =	simm.s32 @!p0 $0x0  }
0x12: {  	s1 =	sld [smem:$0x3F9A];
	s0 =	simm.s32 @p0 $0x1  }
0x13: {  	[smem:$0x3FB5] =	sst s0;
	s0 =	simm.s32 @!p1 $0x0  }
0x14: {  	s2 =	sld [smem:$0x3F99];
	s0 =	simm.s32 @p1 $0x1  }
0x15: {  	[smem:$0x3FB6] =	sst s0;
	s0 =	simm.s32 @!p2 $0x0  }
0x16: {  	s3 =	sld [smem:$0x3FDB];
	s0 =	simm.s32 @p2 $0x1  }
0x17: {  	s4 =	simm.s32 $0x1BF5;
	[smem:$0x3FB8] =	sst s0  }
0x18: {  	s0 =	sld [smem:$0x3F9B];
	_ =	swait.ge [sflag:s4], $0x0  }
0x19: {  	s7 =	sld [smem:$0x3F9C]  }
0x1a: {  	s8 =	sadd.s32 $0xFFFFE003, lr  }
0x1b: {  	s9 =	sadd.s32 $0xFFFFFEF7, lr;
	s5 =	simm.s32 $0xFFFFFFFF;
	p2 =	slt.u32 s8, $0xFFFFF086  }
0x1c: {  	p1 =	slt.u32 s9, $0xF7A;
	s5 =	simm.s32 @!p2 $0x0  }
0x1d: {  	s5 =	simm.s32 @p1 $0x1;
	p0 =	seq.s32 s7, s2  }
0x1e: {  	s7 =	smul.u32 @!p0 $0xF7A, s2;
	p2 =	seq.s32 @!p0 s5, $0x0  }
0x1f: {  	s9 =	smul.u32 $0xF7A, s1;
	s8 =	simm.s32 @!p0 $0x1BF5;
	p2 =	por !p2, p0  }
0x20: {  	[sflag:s8] =	ssyncset.s32 @!p0 $0xFFFFF086;
	s6 =	sadd.s32 @!p0 s3, s7;
	s7 =	simm.s32 @!p0 $0x108  }
0x21: {  	s3 =	sadd.s32 s3, s9;
	s6 =	sadd.s32 @!p0 $0x88, s6;
	s7 =	simm.s32 @p2 $0x1082  }
0x22: {  	[simem:s7], [sflag:s8] =	dma.local @!p0 [hbm:s6], $0xF7A  }
0x23: {  	s9 =	sor.u32 $0xD0000000, s2;
	s6 =	simm.s32 $0x108;
	_ =	swait.ge @!p0 [sflag:s8], $0x0  }
0x24: {  	s3 =	sadd.s32 $0x88, s3;
	s6 =	simm.s32 @!p1 $0x1082;
	[sflag:s4] =	ssyncset.s32 $0xFFFFF086  }
0x25: {  	[simem:s6], [sflag:s4] =	dma.local [hbm:s3], $0xF7A  }
0x26: {  	[smem:$0x3F9C] =	sst s1;
	(tag) =	ssettag s2;
	_ =	strace s9  }
0x27: {  	s1 =	sld [smem:$0x3FAC]  }
0x28: {  	s2 =	sld [smem:$0x3FAD]  }
0x29: {  	s4 =	sld [smem:$0x3FAF]  }
0x2a: {  	p0 =	seq.s32 s5, $0x0;
	s5 =	sld [smem:$0x3FB0]  }
0x2b: {  	s6 =	sld [smem:$0x3FB1]  }
0x2c: {  	s7 =	sld [smem:$0x3FB2]  }
0x2d: {  	s3 =	simm.s32 $0x108;
	s8 =	sld [smem:$0x3FB3]  }
0x2e: {  	s3 =	simm.s32 @!p0 $0x1082;
	s9 =	sld [smem:$0x3FB4]  }
0x2f: {  	lr =	sadd.s32 s0, s3;
	s0 =	sld [smem:$0x3FAB]  }
0x30: {  	s3 =	sld [smem:$0x3FAE]  }
0x31: {  	[smem:$0x3FB7] =	sst s10  }
0x32: {  	s10 =	sld [smem:$0x3FB5];
	_ =	sdelay $0x3  }
0x33: {  	p0 =	seq.s32 s10, $0x1;
	s10 =	sld [smem:$0x3FB7];
	_ =	sdelay $0x3  }
0x34: {  	[smem:$0x3FB7] =	sst s10  }
0x35: {  	s10 =	sld [smem:$0x3FB6];
	_ =	sdelay $0x3  }
0x36: {  	p1 =	seq.s32 s10, $0x1;
	s10 =	sld [smem:$0x3FB7];
	_ =	sdelay $0x3  }
0x37: {  	[smem:$0x3FB7] =	sst s10  }
0x38: {  	s10 =	sld [smem:$0x3FB8]  }
0x39: {  	_ = 	snop;
	(pc) =	sbr.ind lr, $3  }
0x3a: {  	_ = 	snop  }
0x3b: {  	_ = 	snop  }
0x3c: {  	p2 =	seq.s32 s10, $0x1;
	s10 =	sld [smem:$0x3FB7]  }
0x3d: {  	_ =	shalt  }
0x3e: {  	_ =	shalt  }
0x3f: {  	_ =	shalt  }
0x40: {  	_ =	shalt  }
0x41: {  	_ =	shalt  }
0x42: {  	_ =	shalt  }
0x43: {  	_ =	shalt  }
0x44: {  	_ =	shalt  }
0x45: {  	_ =	shalt  }
0x46: {  	_ =	shalt  }
0x47: {  	_ =	shalt  }
0x48: {  	_ =	shalt  }
0x49: {  	_ =	shalt  }
0x4a: {  	_ =	shalt  }
0x4b: {  	_ =	shalt  }
0x4c: {  	_ =	shalt  }
0x4d: {  	_ =	shalt  }
0x4e: {  	_ =	shalt  }
0x4f: {  	_ =	shalt  }
0x50: {  	_ =	shalt  }
0x51: {  	_ =	shalt  }
0x52: {  	_ =	shalt  }
0x53: {  	_ =	shalt  }
0x54: {  	_ =	shalt  }
0x55: {  	_ =	shalt  }
0x56: {  	_ =	shalt  }
0x57: {  	_ =	shalt  }
0x58: {  	_ =	shalt  }
0x59: {  	_ =	shalt  }
0x5a: {  	_ =	shalt  }
0x5b: {  	_ =	shalt  }
0x5c: {  	_ =	shalt  }
0x5d: {  	_ =	shalt  }
0x5e: {  	_ =	shalt  }
0x5f: {  	_ =	shalt  }
0x60: {  	_ =	shalt  }
0x61: {  	_ =	shalt  }
0x62: {  	_ =	shalt  }
0x63: {  	_ =	shalt  }
0x64: {  	_ =	shalt  }
0x65: {  	_ =	shalt  }
0x66: {  	_ =	shalt  }
0x67: {  	_ =	shalt  }
0x68: {  	_ =	shalt  }
0x69: {  	_ =	shalt  }
0x6a: {  	_ =	shalt  }
0x6b: {  	_ =	shalt  }
0x6c: {  	_ =	shalt  }
0x6d: {  	_ =	shalt  }
0x6e: {  	_ =	shalt  }
0x6f: {  	_ =	shalt  }
0x70: {  	_ =	shalt  }
0x71: {  	_ =	shalt  }
0x72: {  	_ =	shalt  }
0x73: {  	_ =	shalt  }
0x74: {  	_ =	shalt  }
0x75: {  	_ =	shalt  }
0x76: {  	_ =	shalt  }
0x77: {  	_ =	shalt  }
0x78: {  	_ =	shalt  }
0x79: {  	_ =	shalt  }
0x7a: {  	_ =	shalt  }
0x7b: {  	_ =	shalt  }
0x7c: {  	_ =	shalt  }
0x7d: {  	_ =	shalt  }
0x7e: {  	_ =	shalt  }
0x7f: {  	_ =	shalt  }
0x80: {  	_ =	shalt  }
0x81: {  	_ =	shalt  }
0x82: {  	_ =	shalt  }
0x83: {  	_ =	shalt  }
0x84: {  	_ =	shalt  }
0x85: {  	_ =	shalt  }
0x86: {  	_ =	shalt  }
0x87: {  	_ =	shalt  }
.Lfunc_end0:
.L_simem_size_0:
called_computation_lowered:
.L_overlay_start_0:
0x88: {  	s2 =	sld [smem:$0x3FD9]  }
0x89: {  	s3 =	sld [smem:$0x3FFE];
	_ =	sdelay $0x1  }
0x8a: {  	s1 =	srdreg.scid  }
0x8b: {  	s0 =	sand.u32 $0x1, s1  }
0x8c: {  	s17 =	sshll.u32 s0, $0xA;
	s2 =	sadd.s32 s3, s2  }
0x8d: {  	s2 =	sadd.s32 s2, s17  }
0x8e: {  	[smem:$0x3FC3] =	sst s2  }
0x8f: {  	_ = 	snop  }
0x90: {  	s2 =	sld [smem:$0x3FD0];
	(tm) =	ssettm $0x1  }
0x91: {  	s18 =	sld [smem:$0x3FFB];
	_ =	sdelay $0x3  }
0x92: {  	_ =	strace s18  }
0x93: {  	s3 =	sld [smem:$0x3FFC];
	_ =	sdelay $0x3  }
0x94: {  	_ =	strace s3  }
0x95: {  	s3 =	sld [smem:$0x3FFD];
	_ =	sdelay $0x3  }
0x96: {  	_ =	strace s3  }
0x97: {  	_ =	strace $0x8FFFFFFF  }
0x98: {  	s19 =	sld [smem:$0x3FDB];
	_ =	sdelay $0x1  }
0x99: {  	s4 =	simm.s32 $_scs_section_size  }
0x9a: {  	s5 =	simm.s32 $_size__tile_overlayer_lowered;
	s6 =	simm.s32 $_tile_overlayer_lowered  }
0x9b: {  	s22 =	simm.s32 $0x1BFF;
	s21 =	sshll.u32 s6, $0x1;
	s3 =	sadd.s32 s4, s19  }
0x9c: {  	s7 =	simm.s32 $0x0;
	s20 =	sshll.u32 s5, $0x1;
	s5 =	sadd.s32 s21, s3  }
0x9d: {  	[timem:s7], [sflag:s22] =	dma.local [hbm:s5], s20  }
0x9e: {  	_ =	swait.ge [sflag:s22], s20  }
0x9f: {  	s4 =	ssub.s32 $0x0, s20;
	[sflag:s22] =	ssyncset.done $0x0  }
0xa0: {  	[sflag:s22] =	ssyncadd.s32 s4;
	_ =	sdelay $0x1  }
0xa1: {  	s23 =	simm.s32 $0x1B8B  }
0xa2: {  	_ =	swait.ge [sflag:s23], $0x1  }
0xa3: {  	[sflag:s23] =	ssyncset.done $0x0  }
0xa4: {  	s25 =	simm.s32 $0x1B8E;
	s24 =	sld [smem:$0x3FFE];
	[sflag:s23] =	ssyncadd.s32 $0xFFFFFFFF  }
0xa5: {  	s26 =	simm.s32 $execute0_lowered;
	[smem:$0x3FD2] =	sst s25  }
0xa6: {  	s5 =	sshll.u32 s26, $0x1;
	_ =	strace $0x80000046;
	[dreg:$0x1] =	wrdreg $0xFFFFFFFF  }
0xa7: {  	s28 =	simm.s32 $_size_execute0_lowered;
	s3 =	sadd.s32 s3, s5;
	[dreg:$0x0] =	wrdreg $0x0  }
0xa8: {  	s5 =	sshll.u32 s28, $0x1;
	[dreg:$0x2] =	wrdreg s3  }
0xa9: {  	[dreg:$0x3] =	wrdreg s5  }
0xaa: {  	[dreg:$0x4] =	wrdreg $0xC0  }
0xab: {  	_ =	task [dreg:s7], $0x5FFFF  }
0xac: {  	[dreg:$0x1] =	wrdreg $0xFFFFFFFF  }
0xad: {  	[dreg:$0x0] =	wrdreg $0x60  }
0xae: {  	[dreg:$0x2] =	wrdreg s24  }
0xaf: {  	[dreg:$0x3] =	wrdreg s2  }
0xb0: {  	[dreg:$0x4] =	wrdreg $0x140800  }
0xb1: {  	[dreg:$0x5] =	wrdreg $0x9  }
0xb2: {  	_ =	task.clear_ibuf [dreg:s7], $0x6FFFF;
	_ =	strace $0x90000046  }
0xb3: {  	s29 =	simm.s32 $0x9;
	_ =	strace $0x80000048  }
0xb4: {  	_ =	swait.ge [sflag:s29], $0x1  }
0xb5: {  	[sflag:s29] =	ssyncadd.s32 $0xFFFFFFFF  }
0xb6: {  	_ =	strace $0x90000048  }
0xb7: {  	_ =	sfence  }
0xb8: {  	s30 =	sld [smem:$0x0];
	_ =	sdelay $0x2  }
0xb9: {  	s31 =	sshll.u32 s1, $0xD;
	s1 =	sshrl.u32 s1, $0x2  }
0xba: {  	s3 =	sand.u32 $0x4000, s31;
	s1 =	sadd.s32 s1, s30  }
0xbb: {  	s0 =	sor.u32 s3, s0;
	s1 =	sshll.u32 s1, $0x11  }
0xbc: {  	s0 =	sor.u32 s1, s0  }
0xbd: {  	s0 =	sadd.s32 $0x8F2B, s0  }
0xbe: {  	[sflag:s0] =	ssyncadd.remote.s32 $0x1  }
0xbf: {  	_ =	sfence.sel $0xFFFF  }
0xc0: {  	[dreg:$0x0] =	wrdreg $0xFFFFFFFF;
	(pc) =	sbr.abs _section_cstart, $3  }
0xc1: {  	[dreg:$0x1] =	wrdreg $0xFFFFFFFF  }
0xc2: {  	_ =	task.clear_ibuf [dreg:s7], $0x2FFFF;
	_ =	strace $0x9FFFFFFF  }
0xc3: {  	(tm) =	ssettm $0x7FFFFFFF  }
tec
execute0_lowered:
.L_overlay_start_1:
0x0: {  	(tag) =	ssettag $0x1  }
0x1: {  	s6 =	rddreg [dreg:$0x0]  }
0x2: {  	s8 =	rddreg [dreg:$0x1]  }
0x3: {  	s2 =	rddreg [dreg:$0x2]  }
0x4: {  	s0 =	rddreg [dreg:$0x3]  }
0x5: {  	s3 =	simm.s32 $0x0;
	s1 =	stileid.u32;
	s4 =	srdreg.scid  }
0x6: {  	s17 =	simm.s32 $0x10000;
	s18 =	simm.s32 $0x1;
	s19 =	simm.s32 $0x12C00  }
0x7: {  	s22 =	simm.s32 $0x0;
	[smem:$0x7FF] =	sst s3;
	s5 =	smul.u32 $0x140, s1  }
0x8: {  	s7 =	sand.u32 $0x1, s4;
	s4 =	sadd.s32 $0x11400, s6;
	s30 =	smul.u32 $0x28000, s1  }
0x9: {  	s9 =	sshll.u32 s1, $0xC;
	s11 =	sshrl.u32 s1, $0x3;
	s20 =	smul.u32 $0x1400, s7  }
0xa: {  	s14 =	sshll.u32 s1, $0x7;
	p0 =	sne.s32 s1, $0xF;
	s10 =	smul.u32 $0x14000, s7  }
0xb: {  	_ =	strace $0x80000047;
	s12 =	sadd.s32 s9, s6;
	s11 =	smul.u32 $0xA000, s11  }
0xc: {  	s29 =	sand.u32 $0x380, s14;
	s7 =	ssub.s32 $0x2, s7;
	s8 =	sadd.s32 s8, s9  }
0xd: {  	s31 =	sshrl.u32 s7, $0x1;
	s14 =	sshrl.u32 s30, $0x2;
	s9 =	sadd.s32 $0x1400, s12  }
0xe: {  	s13 =	sadd.s32 s5, s20;
	s5 =	sadd.s32 $0x39400, s6;
	s10 =	sadd.s32 s10, s11  }
0xf: {  	s16 =	ssub.s32 s7, s31;
	s7 =	sadd.s32 $0xA0000, s2;
	s21 =	sadd.s32 $0x1400, s20  }
0x10: {  	v0 =	vmov s20;
	s20 =	simm.s32 $0x80;
	s13 =	sshll.u32 s13, $0x4;
	s10 =	sor.u32 s29, s10  }
0x11: {  	s12 =	smax.u32 s16, $0x1;
	s16 =	simm.s32 $0x50;
	s10 =	sshrl.u32 s10, $0x3  }
0x12: {  	v1 =	vmov s21;
	s21 =	simm.s32 $0x400;
	s13 =	sadd.s32 s13, s6;
	s15 =	sadd.s32 s10, s6  }
0x13: {  	s6 =	sadd.s32 s14, s2;
	s10 =	sadd.s32 $0x39600, s13;
	s13 =	simm.s32 $0x12800  }
0x14: {  	v2 =	vimm.f32 $0.0e+00;
	s14 =	simm.s32 $0x2;
	s11 =	sadd.s32 $0x61600, s15;
	s15 =	simm.s32 $0x8000  }
.LBB2_1:
0x15: {  	[tilespmem:s13], [sflag:$0x2] =	stream.linear.gather [hbm4b:s5+s3], $0x400, $0x38;
	[tilespmem:$0x1E0C0] =	vst v63  }
0x16: {  	_ =	swait.ge [sflag:s14], $0x400  }
0x17: {  	[sflag:s14] =	ssyncset.done $0x0  }
0x18: {  	s23 =	simm.s32 $0x0;
	[sflag:s14] =	ssyncadd.s32 $0xFFFFFC00  }
.LBB2_2:
0x19: {  	p1 =	sne.s32 s23, $0x5000  }
.Ltmp0:
0x1a: {  	_ = 	snop;
	(pc) =	sbr.rel @p1 .LBB2_2-.Ltmp0, $3  }
0x1b: {  	_ =	sdelay $0x1  }
0x1c: {  	s24 =	sshra.s32 s23, $0x2  }
0x1d: {  	s23 =	sadd.s32 $0x40, s23;
	[tilespmem:s24+$0x12C00] =	vst v2  }
0x1e: {  	s23 =	sadd.s32 $0x0, s6  }
0x1f: {  	[spmem:s23] =	stream.linear.scatter [tilespmem:s13], [sflag:$0x2], $0x400, $0x38;
	[tilespmem:$0x1E0C0] =	vst v63  }
0x20: {  	s23 =	simm.s32 $0x1000;
	_ =	swait.ge [sflag:s14], $0x400  }
.LBB2_4:
0x21: {  	s24 =	sshra.s32 s23, $0x2;
	[sflag:s14] =	ssyncset.done $0x0;
	p1 =	sne.s32 s23, $0x27000  }
.Ltmp1:
0x22: {  	s24 =	sadd.s32 s24, s6;
	[sflag:s14] =	ssyncadd.s32 $0xFFFFFC00;
	(pc) =	sbr.rel @p1 .LBB2_4-.Ltmp1, $3  }
0x23: {  	[spmem:s24] =	stream.linear.scatter [tilespmem:s13], [sflag:$0x2], $0x400, $0x38;
	[tilespmem:$0x1E0C0] =	vst v63  }
0x24: {  	s23 =	sadd.s32 $0x1000, s23;
	_ =	sdelay $0x1  }
0x25: {  	_ =	swait.ge [sflag:s14], $0x400  }
0x26: {  	[sflag:s14] =	ssyncset.done $0x0  }
0x27: {  	s23 =	simm.s32 @!p0 $0x12800;
	[sflag:s14] =	ssyncadd.s32 $0xFFFFFC00  }
0x28: {  	[spmem:s7] =	stream.linear.scatter @!p0 [tilespmem:s23], [sflag:$0x2], $0x400, $0x38;
	[tilespmem:$0x1E0C0] =	vst v63  }
0x29: {  	s23 =	simm.s32 @!p0 $0x2  }
0x2a: {  	_ =	swait.ge @!p0 [sflag:s23], $0x400  }
0x2b: {  	[sflag:s23] =	ssyncset.done @!p0 $0x0  }
0x2c: {  	s31 =	simm.s32 $0x0;
	[sflag:s23] =	ssyncadd.s32 @!p0 $0xFFFFFC00  }
0x2d: {  	[tilespmem:s31], [sflag:$0x2] =	stream.linear.gather [hbm4b:s8+s31], $0x7D00, $0x38;
	[tilespmem:$0x1E0C0] =	vst v63  }
0x2e: {  	_ =	swait.ge [sflag:s14], $0x7D00  }
0x2f: {  	[sflag:s14] =	ssyncset.done $0x0  }
0x30: {  	[sflag:s14] =	ssyncadd.s32 $0xFFFF8300  }
0x31: {  	[tilespmem:s15], [sflag:$0x2] =	stream.linear.gather [hbm4b:s9+s31], $0x7D00, $0x38;
	[tilespmem:$0x1E0C0] =	vst v63  }
0x32: {  	_ =	swait.ge [sflag:s14], $0x7D00  }
0x33: {  	[sflag:s14] =	ssyncset.done $0x0  }
0x34: {  	s23 =	simm.s32 $0x0;
	[sflag:s14] =	ssyncadd.s32 $0xFFFF8300  }
0x35: {  	v4 =	vld [tilespmem:s23+$0x8040];
	_ =	sdelay $0x2  }
0x36: {  	v5 =	vld [tilespmem:s23+$0x8020]  }
0x37: {  	v6 =	vld [tilespmem:s23+$0x8000]  }
0x38: {  	vm0 =	vge.s32 v4, v0;
	vm1 =	vlt.s32 v4, v1  }
0x39: {  	v3 =	vld [tilespmem:s23+$0x8030];
	v7 =	vsub.s32 v4, v0;
	vm0 =	vmand vm0, vm1  }
0x3a: {  	v4 =	vld [tilespmem:s23+$0x8010];
	v7 =	vnsel vm0, $0x1400, v7  }
0x3b: {  	s24 =	simm.s32 $0x200;
	vm1 =	vlt.s32 v5, v1;
	vm0 =	vge.s32 v5, v0;
	[tilespmem:s23+$0x8040] =	vst v7  }
.LBB2_6:
0x3c: {  	s25 =	sshra.s32 s24, $0x2;
	p1 =	sne.s32 s24, $0x1F200;
	s24 =	sadd.s32 $0x200, s24;
	vm2 =	vlt.s32 v6, v1;
	v7 =	vsub.s32 v6, v0  }
0x3d: {  	vm3 =	vge.s32 v6, v0;
	vm0 =	vmand vm0, vm1;
	v5 =	vsub.s32 v5, v0;
	v8 =	vld [tilespmem:s25+$0x8040]  }
0x3e: {  	vm1 =	vmand vm3, vm2;
	v5 =	vnsel vm0, $0x1400, v5;
	vm0 =	vge.s32 v3, v0  }
0x3f: {  	v6 =	vnsel vm1, $0x1400, v7;
	vm2 =	vlt.s32 v3, v1;
	vm1 =	vlt.s32 v4, v1;
	[tilespmem:s23+$0x8020] =	vst v5  }
0x40: {  	v3 =	vsub.s32 v3, v0;
	vm3 =	vge.s32 v4, v0;
	vm0 =	vmand vm0, vm2;
	v5 =	vld [tilespmem:s25+$0x8020];
	[tilespmem:s23+$0x8000] =	vst v6  }
.Ltmp2:
0x41: {  	v4 =	vsub.s32 v4, v0;
	vm1 =	vmand vm3, vm1;
	v3 =	vnsel vm0, $0x1400, v3;
	v6 =	vld [tilespmem:s25+$0x8000];
	(pc) =	sbr.rel @p1 .LBB2_6-.Ltmp2, $4  }
0x42: {  	v4 =	vnsel vm1, $0x1400, v4;
	vm0 =	vge.s32 v8, v0;
	vm2 =	vlt.s32 v8, v1;
	[tilespmem:s23+$0x8030] =	vst v3  }
0x43: {  	v7 =	vsub.s32 v8, v0;
	v3 =	vld [tilespmem:s25+$0x8030];
	vm0 =	vmand vm0, vm2;
	[tilespmem:s23+$0x8010] =	vst v4;
	s23 =	smov.u32 s25  }
0x44: {  	v4 =	vld [tilespmem:s23+$0x8010];
	v7 =	vnsel vm0, $0x1400, v7  }
0x45: {  	vm0 =	vge.s32 v5, v0;
	vm1 =	vlt.s32 v5, v1;
	[tilespmem:s23+$0x8040] =	vst v7  }
0x46: {  	vm2 =	vlt.s32 v6, v1;
	v7 =	vsub.s32 v6, v0  }
0x47: {  	vm3 =	vge.s32 v6, v0;
	vm0 =	vmand vm0, vm1;
	v5 =	vsub.s32 v5, v0  }
0x48: {  	vm1 =	vmand vm3, vm2;
	v5 =	vnsel vm0, $0x1400, v5;
	vm0 =	vge.s32 v3, v0  }
0x49: {  	v6 =	vnsel vm1, $0x1400, v7;
	vm2 =	vlt.s32 v3, v1;
	v3 =	vsub.s32 v3, v0  }
0x4a: {  	[tilespmem:s23+$0x8020] =	vst v5;
	vm1 =	vlt.s32 v4, v1;
	vm3 =	vge.s32 v4, v0;
	vm0 =	vmand vm0, vm2  }
0x4b: {  	[tilespmem:s23+$0x8000] =	vst v6;
	v4 =	vsub.s32 v4, v0;
	vm1 =	vmand vm3, vm1;
	v3 =	vnsel vm0, $0x1400, v3  }
0x4c: {  	v4 =	vnsel vm1, $0x1400, v4;
	[tilespmem:s23+$0x8030] =	vst v3  }
0x4d: {  	[tilespmem:s23+$0x8010] =	vst v4  }
0x4e: {  	s31 =	simm.s32 $0x0;
	[bflag:$0x0] =	sbarrier.arrive $0xFFFF  }
0x4f: {  	[tilespmem:s17], [sflag:$0x1] =	stream.indirect.gather [hbm4b:s4+s16], $0x80, s31, s16, $0xb8;
	[tilespmem:$0x1E0C0] =	vst v63  }
0x50: {  	_ =	swait.ge [sflag:s18], $0x2800  }
0x51: {  	[sflag:s18] =	ssyncset.done $0x0  }
0x52: {  	s24 =	simm.s32 $0x8000;
	[sflag:s18] =	ssyncadd.s32 $0xFFFFD800  }
0x53: {  	[spmem:s2] =	stream.indirect.scatter.add.f32 [tilespmem:s17], [sflag:$0x2], $0x80, s24, s16, $0xb8;
	[tilespmem:$0x1E0C0] =	vst v63  }
0x54: {  	_ =	swait.ge [sflag:s14], $0x2800  }
0x55: {  	[sflag:s14] =	ssyncset.done $0x0  }
0x56: {  	[sflag:s14] =	ssyncadd.s32 $0xFFFFD800  }
0x57: {  	v3 =	vld [tilespmem:s31+$0x8000];
	_ =	sdelay $0x4  }
0x58: {  	(xrf1) =	vunique.msk.u32 $0xffff, v3;
	_ =	sdelay $0xc  }
0x59: {  	v4 =	vld.idx.msk [tilespmem:v3+s19+$0x0], $0xffff  }
0x5a: {  	_, v5, vm0 =	vpop (xrf1);
	_ =	sdelay $0x1  }
0x5b: {  	v5 =	vcvt.s32.f32 v5;
	_ =	sdelay $0x1  }
0x5c: {  	v4 =	vadd.f32 v5, v4;
	_ =	sdelay $0x1  }
0x5d: {  	[tilespmem:v3+s19+$0x0] =	vst.idx.msk vm0, v4  }
0x5e: {  	v3 =	vld [tilespmem:s31+$0x8010];
	_ =	sdelay $0x4  }
0x5f: {  	(xrf1) =	vunique.msk.u32 $0xffff, v3;
	_ =	sdelay $0xc  }
0x60: {  	v4 =	vld.idx.msk [tilespmem:v3+s19+$0x0], $0xffff  }
0x61: {  	_, v5, vm0 =	vpop (xrf1);
	_ =	sdelay $0x1  }
0x62: {  	v5 =	vcvt.s32.f32 v5;
	_ =	sdelay $0x1  }
0x63: {  	v4 =	vadd.f32 v5, v4;
	_ =	sdelay $0x1  }
0x64: {  	[tilespmem:v3+s19+$0x0] =	vst.idx.msk vm0, v4  }
0x65: {  	v3 =	vld [tilespmem:s31+$0x8020];
	_ =	sdelay $0x4  }
0x66: {  	(xrf1) =	vunique.msk.u32 $0xffff, v3;
	_ =	sdelay $0xc  }
0x67: {  	v4 =	vld.idx.msk [tilespmem:v3+s19+$0x0], $0xffff  }
0x68: {  	_, v5, vm0 =	vpop (xrf1);
	_ =	sdelay $0x1  }
0x69: {  	v5 =	vcvt.s32.f32 v5;
	_ =	sdelay $0x1  }
0x6a: {  	v4 =	vadd.f32 v5, v4;
	_ =	sdelay $0x1  }
0x6b: {  	[tilespmem:v3+s19+$0x0] =	vst.idx.msk vm0, v4  }
0x6c: {  	v3 =	vld [tilespmem:s31+$0x8030];
	_ =	sdelay $0x4  }
0x6d: {  	(xrf1) =	vunique.msk.u32 $0xffff, v3;
	_ =	sdelay $0xc  }
0x6e: {  	v4 =	vld.idx.msk [tilespmem:v3+s19+$0x0], $0xffff  }
0x6f: {  	_, v5, vm0 =	vpop (xrf1);
	_ =	sdelay $0x1  }
0x70: {  	v5 =	vcvt.s32.f32 v5;
	_ =	sdelay $0x1  }
0x71: {  	v4 =	vadd.f32 v5, v4;
	_ =	sdelay $0x1  }
0x72: {  	[tilespmem:v3+s19+$0x0] =	vst.idx.msk vm0, v4  }
0x73: {  	v3 =	vld [tilespmem:s31+$0x8040];
	_ =	sdelay $0x4  }
0x74: {  	(xrf1) =	vunique.msk.u32 $0xffff, v3;
	_ =	sdelay $0xc  }
0x75: {  	v4 =	vld.idx.msk [tilespmem:v3+s19+$0x0], $0xffff  }
0x76: {  	_, v5, vm0 =	vpop (xrf1);
	_ =	sdelay $0x1  }
0x77: {  	v5 =	vcvt.s32.f32 v5;
	_ =	sdelay $0x1  }
0x78: {  	s23 =	simm.s32 $0x200;
	s24 =	simm.s32 $0x400;
	v4 =	vadd.f32 v5, v4  }
.LBB2_8:
0x79: {  	p1 =	sne.s32 s24, $0x1F200  }
0x7a: {  	s25 =	sshra.s32 s23, $0x2;
	s23 =	smov.u32 s24;
	s24 =	sadd.s32 $0x200, s24;
	[tilespmem:v3+s19+$0x0] =	vst.idx.msk vm0, v4  }
0x7b: {  	[tilespmem:s17], [sflag:$0x1] =	stream.indirect.gather [hbm4b:s4+s16], $0x80, s25, s16, $0xb8;
	[tilespmem:$0x1E0C0] =	vst v63  }
0x7c: {  	_ =	swait.ge [sflag:s18], $0x2800  }
0x7d: {  	[sflag:s18] =	ssyncset.done $0x0  }
0x7e: {  	s26 =	sadd.s32 $0x8000, s25;
	[sflag:s18] =	ssyncadd.s32 $0xFFFFD800  }
0x7f: {  	[spmem:s2] =	stream.indirect.scatter.add.f32 [tilespmem:s17], [sflag:$0x2], $0x80, s26, s16, $0xb8;
	[tilespmem:$0x1E0C0] =	vst v63  }
0x80: {  	_ =	swait.ge [sflag:s14], $0x2800  }
0x81: {  	[sflag:s14] =	ssyncset.done $0x0  }
0x82: {  	[sflag:s14] =	ssyncadd.s32 $0xFFFFD800  }
0x83: {  	v3 =	vld [tilespmem:s25+$0x8000];
	_ =	sdelay $0x4  }
0x84: {  	(xrf1) =	vunique.msk.u32 $0xffff, v3;
	_ =	sdelay $0xb  }
0x85: {  	v4 =	vld.idx.msk [tilespmem:v3+s19+$0x0], $0xffff;
	_ =	sdelay $0x1  }
0x86: {  	_, v5, vm0 =	vpop (xrf1)  }
0x87: {  	v5 =	vcvt.s32.f32 v5;
	_ =	sdelay $0x2  }
0x88: {  	v4 =	vadd.f32 v5, v4;
	_ =	sdelay $0x1  }
0x89: {  	[tilespmem:v3+s19+$0x0] =	vst.idx.msk vm0, v4  }
0x8a: {  	v3 =	vld [tilespmem:s25+$0x8010];
	_ =	sdelay $0x4  }
0x8b: {  	(xrf1) =	vunique.msk.u32 $0xffff, v3;
	_ =	sdelay $0xb  }
0x8c: {  	v4 =	vld.idx.msk [tilespmem:v3+s19+$0x0], $0xffff;
	_ =	sdelay $0x1  }
0x8d: {  	_, v5, vm0 =	vpop (xrf1)  }
0x8e: {  	v5 =	vcvt.s32.f32 v5;
	_ =	sdelay $0x2  }
0x8f: {  	v4 =	vadd.f32 v5, v4;
	_ =	sdelay $0x1  }
0x90: {  	[tilespmem:v3+s19+$0x0] =	vst.idx.msk vm0, v4  }
0x91: {  	v3 =	vld [tilespmem:s25+$0x8020];
	_ =	sdelay $0x4  }
0x92: {  	(xrf1) =	vunique.msk.u32 $0xffff, v3;
	_ =	sdelay $0x2  }
0x93: {  	v4 =	vld.idx.msk [tilespmem:v3+s19+$0x0], $0xffff;
	_ =	sdelay $0xa  }
0x94: {  	_, v5, vm0 =	vpop (xrf1)  }
0x95: {  	v5 =	vcvt.s32.f32 v5;
	_ =	sdelay $0x2  }
0x96: {  	v4 =	vadd.f32 v5, v4;
	_ =	sdelay $0x1  }
0x97: {  	[tilespmem:v3+s19+$0x0] =	vst.idx.msk vm0, v4  }
0x98: {  	v3 =	vld [tilespmem:s25+$0x8030];
	_ =	sdelay $0x4  }
0x99: {  	(xrf1) =	vunique.msk.u32 $0xffff, v3;
	_ =	sdelay $0x2  }
0x9a: {  	v4 =	vld.idx.msk [tilespmem:v3+s19+$0x0], $0xffff;
	_ =	sdelay $0xa  }
0x9b: {  	_, v5, vm0 =	vpop (xrf1)  }
0x9c: {  	v5 =	vcvt.s32.f32 v5;
	_ =	sdelay $0x2  }
0x9d: {  	v4 =	vadd.f32 v5, v4;
	_ =	sdelay $0x1  }
0x9e: {  	[tilespmem:v3+s19+$0x0] =	vst.idx.msk vm0, v4  }
0x9f: {  	v3 =	vld [tilespmem:s25+$0x8040];
	_ =	sdelay $0x4  }
0xa0: {  	(xrf1) =	vunique.msk.u32 $0xffff, v3;
	_ =	sdelay $0x2  }
0xa1: {  	v4 =	vld.idx.msk [tilespmem:v3+s19+$0x0], $0xffff;
	_ =	sdelay $0xa  }
.Ltmp3:
0xa2: {  	_, v5, vm0 =	vpop (xrf1);
	(pc) =	sbr.rel @p1 .LBB2_8-.Ltmp3, $2  }
0xa3: {  	v5 =	vcvt.s32.f32 v5;
	_ =	sdelay $0x2  }
0xa4: {  	v4 =	vadd.f32 v5, v4  }
0xa5: {  	_ =	sdelay $0x4  }
0xa6: {  	s23 =	sshra.s32 s23, $0x2;
	[tilespmem:v3+s19+$0x0] =	vst.idx.msk vm0, v4  }
0xa7: {  	[tilespmem:s17], [sflag:$0x1] =	stream.indirect.gather [hbm4b:s4+s16], $0x80, s23, s16, $0xb8;
	[tilespmem:$0x1E0C0] =	vst v63  }
0xa8: {  	_ =	swait.ge [sflag:s18], $0x2800  }
0xa9: {  	[sflag:s18] =	ssyncset.done $0x0  }
0xaa: {  	s24 =	sadd.s32 $0x8000, s23;
	[sflag:s18] =	ssyncadd.s32 $0xFFFFD800  }
0xab: {  	[spmem:s2] =	stream.indirect.scatter.add.f32 [tilespmem:s17], [sflag:$0x2], $0x80, s24, s16, $0xb8;
	[tilespmem:$0x1E0C0] =	vst v63  }
0xac: {  	_ =	swait.ge [sflag:s14], $0x2800  }
0xad: {  	[sflag:s14] =	ssyncset.done $0x0  }
0xae: {  	[sflag:s14] =	ssyncadd.s32 $0xFFFFD800  }
0xaf: {  	v3 =	vld [tilespmem:s23+$0x8000];
	_ =	sdelay $0x4  }
0xb0: {  	(xrf1) =	vunique.msk.u32 $0xffff, v3;
	_ =	sdelay $0xc  }
0xb1: {  	v59 =	vld.idx.msk [tilespmem:v3+s19+$0x0], $0xffff  }
0xb2: {  	_, v5, vm11 =	vpop (xrf1);
	_ =	sdelay $0x1  }
0xb3: {  	v5 =	vcvt.s32.f32 v5;
	_ =	sdelay $0x1  }
0xb4: {  	v4 =	vadd.f32 v5, v59;
	_ =	sdelay $0x1  }
0xb5: {  	[tilespmem:v3+s19+$0x0] =	vst.idx.msk vm11, v4  }
0xb6: {  	v3 =	vld [tilespmem:s23+$0x8010];
	_ =	sdelay $0x4  }
0xb7: {  	(xrf1) =	vunique.msk.u32 $0xffff, v3;
	_ =	sdelay $0xc  }
0xb8: {  	v4 =	vld.idx.msk [tilespmem:v3+s19+$0x0], $0xffff  }
0xb9: {  	_, v60, vm12 =	vpop (xrf1);
	_ =	sdelay $0x1  }
0xba: {  	v5 =	vcvt.s32.f32 v60;
	_ =	sdelay $0x1  }
0xbb: {  	v4 =	vadd.f32 v5, v4;
	_ =	sdelay $0x1  }
0xbc: {  	[tilespmem:v3+s19+$0x0] =	vst.idx.msk vm12, v4  }
0xbd: {  	v3 =	vld [tilespmem:s23+$0x8020];
	_ =	sdelay $0x4  }
0xbe: {  	(xrf1) =	vunique.msk.u32 $0xffff, v3;
	_ =	sdelay $0xc  }
0xbf: {  	v4 =	vld.idx.msk [tilespmem:v3+s19+$0x0], $0xffff  }
0xc0: {  	_, v61, vm13 =	vpop (xrf1);
	_ =	sdelay $0x1  }
0xc1: {  	v5 =	vcvt.s32.f32 v61;
	_ =	sdelay $0x1  }
0xc2: {  	v4 =	vadd.f32 v5, v4;
	_ =	sdelay $0x1  }
0xc3: {  	[tilespmem:v3+s19+$0x0] =	vst.idx.msk vm13, v4  }
0xc4: {  	v3 =	vld [tilespmem:s23+$0x8030];
	_ =	sdelay $0x4  }
0xc5: {  	(xrf1) =	vunique.msk.u32 $0xffff, v3;
	_ =	sdelay $0xc  }
0xc6: {  	v4 =	vld.idx.msk [tilespmem:v3+s19+$0x0], $0xffff  }
0xc7: {  	_, v62, vm14 =	vpop (xrf1);
	_ =	sdelay $0x1  }
0xc8: {  	v5 =	vcvt.s32.f32 v62;
	_ =	sdelay $0x1  }
0xc9: {  	v4 =	vadd.f32 v5, v4;
	_ =	sdelay $0x1  }
0xca: {  	[tilespmem:v3+s19+$0x0] =	vst.idx.msk vm14, v4  }
0xcb: {  	v3 =	vld [tilespmem:s23+$0x8040];
	_ =	sdelay $0x4  }
0xcc: {  	(xrf1) =	vunique.msk.u32 $0xffff, v3;
	_ =	sdelay $0xc  }
0xcd: {  	v4 =	vld.idx.msk [tilespmem:v3+s19+$0x0], $0xffff  }
0xce: {  	_, v63, vm15 =	vpop (xrf1);
	_ =	sdelay $0x1  }
0xcf: {  	v5 =	vcvt.s32.f32 v63;
	_ =	sdelay $0x1  }
0xd0: {  	v4 =	vadd.f32 v5, v4;
	_ =	sdelay $0x1  }
0xd1: {  	s30 =	sshll.u32 s1, $0x6;
	[tilespmem:v3+s19+$0x0] =	vst.idx.msk vm15, v4  }
0xd2: {  	s31 =	sshrl.u32 s6, $0x3;
	s23 =	sor.u32 $0x1C02, s30;
	[bflag:$0x0] =	sbarrier.arrive $0xFFFF  }
0xd3: {  	[hbm:s10], [sflag:s23] =	dma.local [spmem:s31], $0x1400  }
0xd4: {  	s22 =	sadd.s32 $0x1, s22;
	_ =	swait.ge [sflag:s14], $0x1400  }
0xd5: {  	p1 =	sne.s32 s22, s12;
	[sflag:s14] =	ssyncset.done $0x0  }
.Ltmp4:
0xd6: {  	[sflag:s14] =	ssyncadd.s32 $0xFFFFEC00;
	(pc) =	sbr.rel @p1 .LBB2_1-.Ltmp4, $4  }
0xd7: {  	[hbm4b:s11+s20] =	stream.strided.scatter [tilespmem:s19], [sflag:$0x2], $0x1400, s21, s20, $0x38;
	[tilespmem:$0x1E0C0] =	vst v63  }
0xd8: {  	_ =	swait.ge [sflag:s14], $0x1400  }
0xd9: {  	[sflag:s14] =	ssyncset.done $0x0  }
0xda: {  	[sflag:s14] =	ssyncadd.s32 $0xFFFFEC00  }
0xdb: {  	_ =	sfence.sel $0x180000  }
0xdc: {  	[bflag:$0x0] =	sbarrier.arrive $0xFFFF  }
0xdd: {  	p0 =	sne.s32 s1, $0x0;
	_ =	strace $0x90000047  }
0xde: {  	s0 =	sadd.s32 @!p0 $0x100000, s0;
	[bflag:$0x2] =	sbarrier.arrive $0xFFFF  }
0xdf: {  	[sflag:s0] =	ssyncadd.tile.s32 @!p0 $0x1;
	_ =	shalt  }
.Lfunc_end2:
_tile_overlayer_lowered:
.L_overlay_start_2:
0xe0: {  	(tag) =	ssettag $0x2  }
0xe1: {  	s0 =	rddreg [dreg:$0x0];
	s2 =	stileid.u32  }
0xe2: {  	s1 =	rddreg [dreg:$0x1];
	p0 =	sne.s32 s2, $0x0  }
0xe3: {  	s3 =	rddreg [dreg:$0x2];
	[bflag:$0x3] =	sbarrier.arrive $0xFFFF;
	s2 =	simm.s32 @!p0 $0x1C02  }
0xe4: {  	[timem:s3], [sflag:s2] =	dma.local @!p0 [hbm:s0], s1  }
0xe5: {  	s0 =	simm.s32 @!p0 $0x2  }
0xe6: {  	_ =	swait.ge @!p0 [sflag:s0], s1  }
0xe7: {  	s1 =	ssub.s32 @!p0 $0x0, s1;
	[sflag:s0] =	ssyncset.done @!p0 $0x0  }
0xe8: {  	[sflag:s0] =	ssyncadd.s32 @!p0 s1  }
0xe9: {  	[bflag:$0x3] =	sbarrier.arrive $0xFFFF  }
0xea: {  	_ =	shalt  }

</sc_bundles>
